<compile_context>
chip_gen: v7x
topology: tpu7x:2x2x1
jax: 0.10.2.dev20260603
libtpu: 0.0.44.dev20260713+nightly
codegen_flags: <defaults>
</compile_context>

<pallas_src>
import functools

import jax
import jax.numpy as jnp
from jax import lax
from jax.experimental import pallas as pl
from jax.experimental.pallas import tpu as pltpu
from jax.experimental.pallas import tpu_sc as plsc

NB = 4


@functools.lru_cache(maxsize=None)
def _make_sc_lookup(batch, seqlen, embed, vocab):
    info = plsc.get_sparse_core_info()
    nw = info.num_cores * info.num_subcores
    assert batch % nw == 0
    chunks = batch // nw
    assert chunks % NB == 0 and chunks >= NB
    mesh = plsc.VectorSubcoreMesh(core_axis_name="c", subcore_axis_name="s")

    @functools.partial(
        pl.kernel,
        mesh=mesh,
        compiler_params=pltpu.CompilerParams(use_tc_tiling_on_sc=False),
        out_type=jax.ShapeDtypeStruct((batch, seqlen, embed), jnp.float32),
        scratch_types=(
            [pltpu.VMEM((seqlen, embed), jnp.float32) for _ in range(NB)]
            + [pltpu.VMEM((seqlen,), jnp.int32) for _ in range(NB)]
            + [pltpu.VMEM_SHARED((seqlen, embed), jnp.float32)]
            + [pltpu.SemaphoreType.DMA for _ in range(4 * NB)]
        ),
    )
    def k(x_hbm, tok_hbm, pos_hbm, out_hbm, *scratch):
        rows = scratch[:NB]
        idxs = scratch[NB:2 * NB]
        pos_sh = scratch[2 * NB]
        isem = scratch[2 * NB + 1:2 * NB + 1 + NB]
        nsem = scratch[2 * NB + 1 + NB:2 * NB + 1 + 2 * NB]
        gsem = scratch[2 * NB + 1 + 2 * NB:2 * NB + 1 + 3 * NB]
        ssem = scratch[2 * NB + 1 + 3 * NB:]

        wid = lax.axis_index("s") * info.num_cores + lax.axis_index("c")
        row0 = wid * chunks

        @pl.when(lax.axis_index("s") == 0)
        def _():
            pltpu.sync_copy(pos_hbm, pos_sh)

        plsc.subcore_barrier()

        def x_slice(i):
            return x_hbm.at[pl.ds((row0 + i) * seqlen, seqlen)]

        def fetch(i, b):
            @pl.when(i < chunks)
            def _():
                @pl.when(i >= NB)
                def _():
                    pltpu.make_async_copy(
                        rows[b], out_hbm.at[row0 + i - NB], ssem[b]).wait()

                pltpu.async_copy(x_slice(i), idxs[b], isem[b])
                pltpu.async_copy(pos_sh, rows[b], nsem[b])

        def gather(i, b):
            @pl.when(jnp.logical_and(i >= 0, i < chunks))
            def _():
                pltpu.make_async_copy(x_slice(i), idxs[b], isem[b]).wait()
                pltpu.make_async_copy(pos_sh, rows[b], nsem[b]).wait()
                pltpu.async_copy(tok_hbm.at[idxs[b]], rows[b], gsem[b],
                                 add=True)

        def store(i, b):
            @pl.when(jnp.logical_and(i >= 0, i < chunks))
            def _():
                pltpu.make_async_copy(tok_hbm.at[idxs[b]], rows[b],
                                      gsem[b]).wait()
                pltpu.async_copy(rows[b], out_hbm.at[row0 + i], ssem[b])

        def visit_group(kk, _):
            for j in range(NB):
                v = NB * kk + j - 2
                fetch(v + 2, j)
                gather(v + 1, (j + 3) % NB)
                store(v, (j + 2) % NB)
            return 0

        lax.fori_loop(0, chunks // NB + 1, visit_group, 0)

        for b in range(NB):
            pltpu.make_async_copy(rows[b], out_hbm.at[row0], ssem[b]).wait()

    return k


def kernel(x, token_table, pos_table):
    batch, seqlen = x.shape
    vocab, embed = token_table.shape
    k = _make_sc_lookup(batch, seqlen, embed, vocab)
    return k(x.reshape(-1).astype(jnp.int32), token_table, pos_table)

# --- scband reference (transcript-rebuilt; emitter-appended) ---
"""Pipeline reference for scband-token-and-position-embedding-46866683134730 (READ-ONLY COPY).

The authoritative reference and input builder live on the scoring server;
editing this copy changes nothing except your own understanding.
"""

import jax, jax.numpy as jnp
import numpy as np

VOCAB = 1000000
MAXLEN = 200
EMBED = 64
BATCH = 4096

def setup_inputs(seed: int = 0) -> dict:
    key = jax.random.key(seed)
    k_x, k_tok, k_pos = jax.random.split(key, 3)
    x = jax.random.randint(k_x, (BATCH, MAXLEN), 0, VOCAB, dtype=jnp.int64 if jax.config.jax_enable_x64 else jnp.int32)
    token_table = jax.random.normal(k_tok, (VOCAB, EMBED), dtype=jnp.float32) * 0.05
    pos_table = jax.random.normal(k_pos, (MAXLEN, EMBED), dtype=jnp.float32) * 0.05
    return {"x": x, "token_table": token_table, "pos_table": pos_table}

def reference(x, token_table, pos_table):
    seqlen = x.shape[-1]
    positions = jnp.arange(seqlen)
    pos_embedded = jnp.take(pos_table, positions, axis=0)  # [seqlen, embed]
    tok_embedded = jnp.take(token_table, x, axis=0)        # [batch, seqlen, embed]
    return tok_embedded + pos_embedded

if __name__ == "__main__":
    import jax
    _d = setup_inputs()
    print(jax.jit(kernel)(*tuple(_d.values())))

</pallas_src>

<mosaic_0001>
#map = affine_map<(d0, d1) -> (0)>
#map1 = affine_map<(d0, d1) -> (0, 0)>
#map2 = affine_map<(d0, d1) -> (0, 0, 0)>
module attributes {stable_mosaic.version = 14 : i64} {
  func.func @k(%arg0: i32, %arg1: i32, %arg2: memref<819200xi32, #tpu.memory_space<hbm>>, %arg3: memref<1000000x64xf32, #tpu.memory_space<hbm>>, %arg4: memref<200x64xf32, #tpu.memory_space<hbm>>, %arg5: memref<4096x200x64xf32, #tpu.memory_space<hbm>>, %arg6: memref<200x64xf32, #tpu.memory_space<vmem>>, %arg7: memref<200x64xf32, #tpu.memory_space<vmem>>, %arg8: memref<200x64xf32, #tpu.memory_space<vmem>>, %arg9: memref<200x64xf32, #tpu.memory_space<vmem>>, %arg10: memref<200xi32, #tpu.memory_space<vmem>>, %arg11: memref<200xi32, #tpu.memory_space<vmem>>, %arg12: memref<200xi32, #tpu.memory_space<vmem>>, %arg13: memref<200xi32, #tpu.memory_space<vmem>>, %arg14: memref<200x64xf32, #tpu.memory_space<vmem_shared>>, %arg15: memref<!tpu.dma_semaphore, #tpu.memory_space<semaphore_mem>>, %arg16: memref<!tpu.dma_semaphore, #tpu.memory_space<semaphore_mem>>, %arg17: memref<!tpu.dma_semaphore, #tpu.memory_space<semaphore_mem>>, %arg18: memref<!tpu.dma_semaphore, #tpu.memory_space<semaphore_mem>>, %arg19: memref<!tpu.dma_semaphore, #tpu.memory_space<semaphore_mem>>, %arg20: memref<!tpu.dma_semaphore, #tpu.memory_space<semaphore_mem>>, %arg21: memref<!tpu.dma_semaphore, #tpu.memory_space<semaphore_mem>>, %arg22: memref<!tpu.dma_semaphore, #tpu.memory_space<semaphore_mem>>, %arg23: memref<!tpu.dma_semaphore, #tpu.memory_space<semaphore_mem>>, %arg24: memref<!tpu.dma_semaphore, #tpu.memory_space<semaphore_mem>>, %arg25: memref<!tpu.dma_semaphore, #tpu.memory_space<semaphore_mem>>, %arg26: memref<!tpu.dma_semaphore, #tpu.memory_space<semaphore_mem>>, %arg27: memref<!tpu.dma_semaphore, #tpu.memory_space<semaphore_mem>>, %arg28: memref<!tpu.dma_semaphore, #tpu.memory_space<semaphore_mem>>, %arg29: memref<!tpu.dma_semaphore, #tpu.memory_space<semaphore_mem>>, %arg30: memref<!tpu.dma_semaphore, #tpu.memory_space<semaphore_mem>>) attributes {dimension_semantics = [#tpu.dimension_semantics<core_parallel>, #tpu.dimension_semantics<subcore_parallel>], iteration_bounds = array<i64: 2, 16>, scalar_prefetch = 0 : i64, scratch_operands = 25 : i64, tpu.core_type = #tpu.core_type<sc_vector_subcore>, window_params = [{transform_indices = #map}, {transform_indices = #map1}, {transform_indices = #map1}, {transform_indices = #map2}]} {
    %mul3A = arith.constant 2 : i32
    %mul3A_0 = arith.muli %arg1, %mul3A : i32
    %add3A = arith.addi %mul3A_0, %arg0 : i32
    %mul3A_1 = arith.constant 128 : i32
    %mul3A_2 = arith.muli %add3A, %mul3A_1 : i32
    %eq3A = arith.constant 0 : i32
    %eq3A_3 = arith.cmpi eq, %arg1, %eq3A : i32
    %convert_element_type3A = arith.extui %eq3A_3 : i1 to i32
    %cond3A = arith.constant 0 : i32
    %cond3A_4 = arith.cmpi ne, %convert_element_type3A, %cond3A : i32
    scf.if %cond3A_4 {
      "tpu.region"() ({
        %run_scoped3A = tpu.sem_alloc : memref<!tpu.dma_semaphore, #tpu.memory_space<semaphore_mem>>
        tpu.enqueue_dma source(%arg4 : memref<200x64xf32, #tpu.memory_space<hbm>>) target(%arg14 : memref<200x64xf32, #tpu.memory_space<vmem_shared>>) target_semaphore(%run_scoped3A : memref<!tpu.dma_semaphore, #tpu.memory_space<semaphore_mem>>)
        tpu.wait_dma2 semaphore(%run_scoped3A : memref<!tpu.dma_semaphore, #tpu.memory_space<semaphore_mem>>) src(%arg4 : memref<200x64xf32, #tpu.memory_space<hbm>>) dst(%arg14 : memref<200x64xf32, #tpu.memory_space<vmem_shared>>)
        tpu.yield
      }) : () -> ()
    } else {
    }
    %barrier3A = arith.constant 0 : index
    tpu.barrier barrier_id(%barrier3A)
    %scan3A = arith.constant 0 : i32
    %scan3A_5 = arith.constant 0 : i32
    %scan3A_6 = arith.constant 33 : i32
    %scan3A_7 = arith.addi %scan3A_5, %scan3A_6 : i32
    %scan3A_8 = arith.constant 1 : i32
    %scan3A_9 = scf.for %scan3A_42 = %scan3A_5 to %scan3A_7 step %scan3A_8 iter_args(%scan3A_43 = %scan3A) -> (i32)  : i32 {
      %mul3A_44 = arith.constant 4 : i32
      %mul3A_45 = arith.muli %mul3A_44, %scan3A_42 : i32
      %add3A_46 = arith.constant 0 : i32
      %add3A_47 = arith.addi %mul3A_45, %add3A_46 : i32
      %sub3A = arith.constant 2 : i32
      %sub3A_48 = arith.subi %add3A_47, %sub3A : i32
      %add3A_49 = arith.constant 2 : i32
      %add3A_50 = arith.addi %sub3A_48, %add3A_49 : i32
      %lt3A = arith.constant 128 : i32
      %lt3A_51 = arith.cmpi slt, %add3A_50, %lt3A : i32
      %convert_element_type3A_52 = arith.extui %lt3A_51 : i1 to i32
      %cond3A_53 = arith.constant 0 : i32
      %cond3A_54 = arith.cmpi ne, %convert_element_type3A_52, %cond3A_53 : i32
      scf.if %cond3A_54 {
        %ge3A_165 = arith.constant 4 : i32
        %ge3A_166 = arith.cmpi sge, %add3A_50, %ge3A_165 : i32
        %convert_element_type3A_167 = arith.extui %ge3A_166 : i1 to i32
        %cond3A_168 = arith.constant 0 : i32
        %cond3A_169 = arith.cmpi ne, %convert_element_type3A_167, %cond3A_168 : i32
        scf.if %cond3A_169 {
          %add3A_174 = arith.addi %mul3A_2, %add3A_50 : i32
          %sub3A_175 = arith.constant 4 : i32
          %sub3A_176 = arith.subi %add3A_174, %sub3A_175 : i32
          %dma_wait3A_177 = arith.constant 0 : i32
          %dma_wait3A_178 = arith.constant 0 : i32
          %dma_wait3A_179 = tpu.memref_slice %arg5[%sub3A_176, %dma_wait3A_177, %dma_wait3A_178] : memref<4096x200x64xf32, #tpu.memory_space<hbm>> -> memref<1x200x64xf32, #tpu.memory_space<hbm>>
          %dma_wait3A_180 = tpu.memref_squeeze %dma_wait3A_179 : memref<1x200x64xf32, #tpu.memory_space<hbm>> -> memref<200x64xf32, #tpu.memory_space<hbm>>
          %dma_wait3A_181 = arith.constant 0 : i32
          %dma_wait3A_182 = arith.constant 0 : i32
          %dma_wait3A_183 = tpu.memref_slice %arg5[%sub3A_176, %dma_wait3A_181, %dma_wait3A_182] : memref<4096x200x64xf32, #tpu.memory_space<hbm>> -> memref<1x200x64xf32, #tpu.memory_space<hbm>>
          %dma_wait3A_184 = tpu.memref_squeeze %dma_wait3A_183 : memref<1x200x64xf32, #tpu.memory_space<hbm>> -> memref<200x64xf32, #tpu.memory_space<hbm>>
          tpu.wait_dma2 semaphore(%arg27 : memref<!tpu.dma_semaphore, #tpu.memory_space<semaphore_mem>>) src(%arg6 : memref<200x64xf32, #tpu.memory_space<vmem>>) dst(%dma_wait3A_184 : memref<200x64xf32, #tpu.memory_space<hbm>>)
        } else {
        }
        %add3A_170 = arith.addi %mul3A_2, %add3A_50 : i32
        %mul3A_171 = arith.constant 200 : i32
        %mul3A_172 = arith.muli %add3A_170, %mul3A_171 : i32
        %dma_start3A = tpu.memref_slice %arg2[%mul3A_172] : memref<819200xi32, #tpu.memory_space<hbm>> -> memref<200xi32, #tpu.memory_space<hbm>>
        %dma_start3A_173 = tpu.memref_slice %arg2[%mul3A_172] : memref<819200xi32, #tpu.memory_space<hbm>> -> memref<200xi32, #tpu.memory_space<hbm>>
        tpu.enqueue_dma source(%dma_start3A_173 : memref<200xi32, #tpu.memory_space<hbm>>) target(%arg10 : memref<200xi32, #tpu.memory_space<vmem>>) target_semaphore(%arg15 : memref<!tpu.dma_semaphore, #tpu.memory_space<semaphore_mem>>)
        tpu.enqueue_dma source(%arg14 : memref<200x64xf32, #tpu.memory_space<vmem_shared>>) target(%arg6 : memref<200x64xf32, #tpu.memory_space<vmem>>) target_semaphore(%arg19 : memref<!tpu.dma_semaphore, #tpu.memory_space<semaphore_mem>>)
      } else {
      }
      %add3A_55 = arith.constant 1 : i32
      %add3A_56 = arith.addi %sub3A_48, %add3A_55 : i32
      %ge3A = arith.constant 0 : i32
      %ge3A_57 = arith.cmpi sge, %add3A_56, %ge3A : i32
      %lt3A_58 = arith.constant 128 : i32
      %lt3A_59 = arith.cmpi slt, %add3A_56, %lt3A_58 : i32
      %and3A = arith.andi %ge3A_57, %lt3A_59 : i1
      %convert_element_type3A_60 = arith.extui %and3A : i1 to i32
      %cond3A_61 = arith.constant 0 : i32
      %cond3A_62 = arith.cmpi ne, %convert_element_type3A_60, %cond3A_61 : i32
      scf.if %cond3A_62 {
        %add3A_165 = arith.addi %mul3A_2, %add3A_56 : i32
        %mul3A_166 = arith.constant 200 : i32
        %mul3A_167 = arith.muli %add3A_165, %mul3A_166 : i32
        %dma_wait3A_168 = tpu.memref_slice %arg2[%mul3A_167] : memref<819200xi32, #tpu.memory_space<hbm>> -> memref<200xi32, #tpu.memory_space<hbm>>
        %dma_wait3A_169 = tpu.memref_slice %arg2[%mul3A_167] : memref<819200xi32, #tpu.memory_space<hbm>> -> memref<200xi32, #tpu.memory_space<hbm>>
        tpu.wait_dma2 semaphore(%arg18 : memref<!tpu.dma_semaphore, #tpu.memory_space<semaphore_mem>>) src(%dma_wait3A_169 : memref<200xi32, #tpu.memory_space<hbm>>) dst(%arg13 : memref<200xi32, #tpu.memory_space<vmem>>)
        tpu.wait_dma2 semaphore(%arg22 : memref<!tpu.dma_semaphore, #tpu.memory_space<semaphore_mem>>) src(%arg14 : memref<200x64xf32, #tpu.memory_space<vmem_shared>>) dst(%arg9 : memref<200x64xf32, #tpu.memory_space<vmem>>)
        %dma_start3A = arith.constant 0 : i32
        %dma_start3A_170 = arith.constant 0 : i32
        %dma_start3A_171 = tpu.memref_slice %arg3[%dma_start3A, %dma_start3A_170] : memref<1000000x64xf32, #tpu.memory_space<hbm>> -> memref<1000000x64xf32, #tpu.memory_space<hbm>>
        tpu.enqueue_indirect_dma source(%dma_start3A_171 : memref<1000000x64xf32, #tpu.memory_space<hbm>>) target(%arg9 : memref<200x64xf32, #tpu.memory_space<vmem>>) offsets(%arg13 : memref<200xi32, #tpu.memory_space<vmem>>) semaphore(%arg26 : memref<!tpu.dma_semaphore, #tpu.memory_space<semaphore_mem>>) {add = true}
      } else {
      }
      %ge3A_63 = arith.constant 0 : i32
      %ge3A_64 = arith.cmpi sge, %sub3A_48, %ge3A_63 : i32
      %lt3A_65 = arith.constant 128 : i32
      %lt3A_66 = arith.cmpi slt, %sub3A_48, %lt3A_65 : i32
      %and3A_67 = arith.andi %ge3A_64, %lt3A_66 : i1
      %convert_element_type3A_68 = arith.extui %and3A_67 : i1 to i32
      %cond3A_69 = arith.constant 0 : i32
      %cond3A_70 = arith.cmpi ne, %convert_element_type3A_68, %cond3A_69 : i32
      scf.if %cond3A_70 {
        %dma_wait3A_165 = arith.constant 0 : i32
        %dma_wait3A_166 = arith.constant 0 : i32
        %dma_wait3A_167 = tpu.memref_slice %arg3[%dma_wait3A_165, %dma_wait3A_166] : memref<1000000x64xf32, #tpu.memory_space<hbm>> -> memref<1000000x64xf32, #tpu.memory_space<hbm>>
        tpu.wait_indirect_dma semaphore(%arg25 : memref<!tpu.dma_semaphore, #tpu.memory_space<semaphore_mem>>) src(%dma_wait3A_167 : memref<1000000x64xf32, #tpu.memory_space<hbm>>) dst(%arg8 : memref<200x64xf32, #tpu.memory_space<vmem>>)
        %add3A_168 = arith.addi %mul3A_2, %sub3A_48 : i32
        %dma_start3A = arith.constant 0 : i32
        %dma_start3A_169 = arith.constant 0 : i32
        %dma_start3A_170 = tpu.memref_slice %arg5[%add3A_168, %dma_start3A, %dma_start3A_169] : memref<4096x200x64xf32, #tpu.memory_space<hbm>> -> memref<1x200x64xf32, #tpu.memory_space<hbm>>
        %dma_start3A_171 = tpu.memref_squeeze %dma_start3A_170 : memref<1x200x64xf32, #tpu.memory_space<hbm>> -> memref<200x64xf32, #tpu.memory_space<hbm>>
        %dma_start3A_172 = arith.constant 0 : i32
        %dma_start3A_173 = arith.constant 0 : i32
        %dma_start3A_174 = tpu.memref_slice %arg5[%add3A_168, %dma_start3A_172, %dma_start3A_173] : memref<4096x200x64xf32, #tpu.memory_space<hbm>> -> memref<1x200x64xf32, #tpu.memory_space<hbm>>
        %dma_start3A_175 = tpu.memref_squeeze %dma_start3A_174 : memref<1x200x64xf32, #tpu.memory_space<hbm>> -> memref<200x64xf32, #tpu.memory_space<hbm>>
        tpu.enqueue_dma source(%arg8 : memref<200x64xf32, #tpu.memory_space<vmem>>) target(%dma_start3A_175 : memref<200x64xf32, #tpu.memory_space<hbm>>) target_semaphore(%arg29 : memref<!tpu.dma_semaphore, #tpu.memory_space<semaphore_mem>>)
      } else {
      }
      %mul3A_71 = arith.constant 4 : i32
      %mul3A_72 = arith.muli %mul3A_71, %scan3A_42 : i32
      %add3A_73 = arith.constant 1 : i32
      %add3A_74 = arith.addi %mul3A_72, %add3A_73 : i32
      %sub3A_75 = arith.constant 2 : i32
      %sub3A_76 = arith.subi %add3A_74, %sub3A_75 : i32
      %add3A_77 = arith.constant 2 : i32
      %add3A_78 = arith.addi %sub3A_76, %add3A_77 : i32
      %lt3A_79 = arith.constant 128 : i32
      %lt3A_80 = arith.cmpi slt, %add3A_78, %lt3A_79 : i32
      %convert_element_type3A_81 = arith.extui %lt3A_80 : i1 to i32
      %cond3A_82 = arith.constant 0 : i32
      %cond3A_83 = arith.cmpi ne, %convert_element_type3A_81, %cond3A_82 : i32
      scf.if %cond3A_83 {
        %ge3A_165 = arith.constant 4 : i32
        %ge3A_166 = arith.cmpi sge, %add3A_78, %ge3A_165 : i32
        %convert_element_type3A_167 = arith.extui %ge3A_166 : i1 to i32
        %cond3A_168 = arith.constant 0 : i32
        %cond3A_169 = arith.cmpi ne, %convert_element_type3A_167, %cond3A_168 : i32
        scf.if %cond3A_169 {
          %add3A_174 = arith.addi %mul3A_2, %add3A_78 : i32
          %sub3A_175 = arith.constant 4 : i32
          %sub3A_176 = arith.subi %add3A_174, %sub3A_175 : i32
          %dma_wait3A_177 = arith.constant 0 : i32
          %dma_wait3A_178 = arith.constant 0 : i32
          %dma_wait3A_179 = tpu.memref_slice %arg5[%sub3A_176, %dma_wait3A_177, %dma_wait3A_178] : memref<4096x200x64xf32, #tpu.memory_space<hbm>> -> memref<1x200x64xf32, #tpu.memory_space<hbm>>
          %dma_wait3A_180 = tpu.memref_squeeze %dma_wait3A_179 : memref<1x200x64xf32, #tpu.memory_space<hbm>> -> memref<200x64xf32, #tpu.memory_space<hbm>>
          %dma_wait3A_181 = arith.constant 0 : i32
          %dma_wait3A_182 = arith.constant 0 : i32
          %dma_wait3A_183 = tpu.memref_slice %arg5[%sub3A_176, %dma_wait3A_181, %dma_wait3A_182] : memref<4096x200x64xf32, #tpu.memory_space<hbm>> -> memref<1x200x64xf32, #tpu.memory_space<hbm>>
          %dma_wait3A_184 = tpu.memref_squeeze %dma_wait3A_183 : memref<1x200x64xf32, #tpu.memory_space<hbm>> -> memref<200x64xf32, #tpu.memory_space<hbm>>
          tpu.wait_dma2 semaphore(%arg28 : memref<!tpu.dma_semaphore, #tpu.memory_space<semaphore_mem>>) src(%arg7 : memref<200x64xf32, #tpu.memory_space<vmem>>) dst(%dma_wait3A_184 : memref<200x64xf32, #tpu.memory_space<hbm>>)
        } else {
        }
        %add3A_170 = arith.addi %mul3A_2, %add3A_78 : i32
        %mul3A_171 = arith.constant 200 : i32
        %mul3A_172 = arith.muli %add3A_170, %mul3A_171 : i32
        %dma_start3A = tpu.memref_slice %arg2[%mul3A_172] : memref<819200xi32, #tpu.memory_space<hbm>> -> memref<200xi32, #tpu.memory_space<hbm>>
        %dma_start3A_173 = tpu.memref_slice %arg2[%mul3A_172] : memref<819200xi32, #tpu.memory_space<hbm>> -> memref<200xi32, #tpu.memory_space<hbm>>
        tpu.enqueue_dma source(%dma_start3A_173 : memref<200xi32, #tpu.memory_space<hbm>>) target(%arg11 : memref<200xi32, #tpu.memory_space<vmem>>) target_semaphore(%arg16 : memref<!tpu.dma_semaphore, #tpu.memory_space<semaphore_mem>>)
        tpu.enqueue_dma source(%arg14 : memref<200x64xf32, #tpu.memory_space<vmem_shared>>) target(%arg7 : memref<200x64xf32, #tpu.memory_space<vmem>>) target_semaphore(%arg20 : memref<!tpu.dma_semaphore, #tpu.memory_space<semaphore_mem>>)
      } else {
      }
      %add3A_84 = arith.constant 1 : i32
      %add3A_85 = arith.addi %sub3A_76, %add3A_84 : i32
      %ge3A_86 = arith.constant 0 : i32
      %ge3A_87 = arith.cmpi sge, %add3A_85, %ge3A_86 : i32
      %lt3A_88 = arith.constant 128 : i32
      %lt3A_89 = arith.cmpi slt, %add3A_85, %lt3A_88 : i32
      %and3A_90 = arith.andi %ge3A_87, %lt3A_89 : i1
      %convert_element_type3A_91 = arith.extui %and3A_90 : i1 to i32
      %cond3A_92 = arith.constant 0 : i32
      %cond3A_93 = arith.cmpi ne, %convert_element_type3A_91, %cond3A_92 : i32
      scf.if %cond3A_93 {
        %add3A_165 = arith.addi %mul3A_2, %add3A_85 : i32
        %mul3A_166 = arith.constant 200 : i32
        %mul3A_167 = arith.muli %add3A_165, %mul3A_166 : i32
        %dma_wait3A_168 = tpu.memref_slice %arg2[%mul3A_167] : memref<819200xi32, #tpu.memory_space<hbm>> -> memref<200xi32, #tpu.memory_space<hbm>>
        %dma_wait3A_169 = tpu.memref_slice %arg2[%mul3A_167] : memref<819200xi32, #tpu.memory_space<hbm>> -> memref<200xi32, #tpu.memory_space<hbm>>
        tpu.wait_dma2 semaphore(%arg15 : memref<!tpu.dma_semaphore, #tpu.memory_space<semaphore_mem>>) src(%dma_wait3A_169 : memref<200xi32, #tpu.memory_space<hbm>>) dst(%arg10 : memref<200xi32, #tpu.memory_space<vmem>>)
        tpu.wait_dma2 semaphore(%arg19 : memref<!tpu.dma_semaphore, #tpu.memory_space<semaphore_mem>>) src(%arg14 : memref<200x64xf32, #tpu.memory_space<vmem_shared>>) dst(%arg6 : memref<200x64xf32, #tpu.memory_space<vmem>>)
        %dma_start3A = arith.constant 0 : i32
        %dma_start3A_170 = arith.constant 0 : i32
        %dma_start3A_171 = tpu.memref_slice %arg3[%dma_start3A, %dma_start3A_170] : memref<1000000x64xf32, #tpu.memory_space<hbm>> -> memref<1000000x64xf32, #tpu.memory_space<hbm>>
        tpu.enqueue_indirect_dma source(%dma_start3A_171 : memref<1000000x64xf32, #tpu.memory_space<hbm>>) target(%arg6 : memref<200x64xf32, #tpu.memory_space<vmem>>) offsets(%arg10 : memref<200xi32, #tpu.memory_space<vmem>>) semaphore(%arg23 : memref<!tpu.dma_semaphore, #tpu.memory_space<semaphore_mem>>) {add = true}
      } else {
      }
      %ge3A_94 = arith.constant 0 : i32
      %ge3A_95 = arith.cmpi sge, %sub3A_76, %ge3A_94 : i32
      %lt3A_96 = arith.constant 128 : i32
      %lt3A_97 = arith.cmpi slt, %sub3A_76, %lt3A_96 : i32
      %and3A_98 = arith.andi %ge3A_95, %lt3A_97 : i1
      %convert_element_type3A_99 = arith.extui %and3A_98 : i1 to i32
      %cond3A_100 = arith.constant 0 : i32
      %cond3A_101 = arith.cmpi ne, %convert_element_type3A_99, %cond3A_100 : i32
      scf.if %cond3A_101 {
        %dma_wait3A_165 = arith.constant 0 : i32
        %dma_wait3A_166 = arith.constant 0 : i32
        %dma_wait3A_167 = tpu.memref_slice %arg3[%dma_wait3A_165, %dma_wait3A_166] : memref<1000000x64xf32, #tpu.memory_space<hbm>> -> memref<1000000x64xf32, #tpu.memory_space<hbm>>
        tpu.wait_indirect_dma semaphore(%arg26 : memref<!tpu.dma_semaphore, #tpu.memory_space<semaphore_mem>>) src(%dma_wait3A_167 : memref<1000000x64xf32, #tpu.memory_space<hbm>>) dst(%arg9 : memref<200x64xf32, #tpu.memory_space<vmem>>)
        %add3A_168 = arith.addi %mul3A_2, %sub3A_76 : i32
        %dma_start3A = arith.constant 0 : i32
        %dma_start3A_169 = arith.constant 0 : i32
        %dma_start3A_170 = tpu.memref_slice %arg5[%add3A_168, %dma_start3A, %dma_start3A_169] : memref<4096x200x64xf32, #tpu.memory_space<hbm>> -> memref<1x200x64xf32, #tpu.memory_space<hbm>>
        %dma_start3A_171 = tpu.memref_squeeze %dma_start3A_170 : memref<1x200x64xf32, #tpu.memory_space<hbm>> -> memref<200x64xf32, #tpu.memory_space<hbm>>
        %dma_start3A_172 = arith.constant 0 : i32
        %dma_start3A_173 = arith.constant 0 : i32
        %dma_start3A_174 = tpu.memref_slice %arg5[%add3A_168, %dma_start3A_172, %dma_start3A_173] : memref<4096x200x64xf32, #tpu.memory_space<hbm>> -> memref<1x200x64xf32, #tpu.memory_space<hbm>>
        %dma_start3A_175 = tpu.memref_squeeze %dma_start3A_174 : memref<1x200x64xf32, #tpu.memory_space<hbm>> -> memref<200x64xf32, #tpu.memory_space<hbm>>
        tpu.enqueue_dma source(%arg9 : memref<200x64xf32, #tpu.memory_space<vmem>>) target(%dma_start3A_175 : memref<200x64xf32, #tpu.memory_space<hbm>>) target_semaphore(%arg30 : memref<!tpu.dma_semaphore, #tpu.memory_space<semaphore_mem>>)
      } else {
      }
      %mul3A_102 = arith.constant 4 : i32
      %mul3A_103 = arith.muli %mul3A_102, %scan3A_42 : i32
      %add3A_104 = arith.constant 2 : i32
      %add3A_105 = arith.addi %mul3A_103, %add3A_104 : i32
      %sub3A_106 = arith.constant 2 : i32
      %sub3A_107 = arith.subi %add3A_105, %sub3A_106 : i32
      %add3A_108 = arith.constant 2 : i32
      %add3A_109 = arith.addi %sub3A_107, %add3A_108 : i32
      %lt3A_110 = arith.constant 128 : i32
      %lt3A_111 = arith.cmpi slt, %add3A_109, %lt3A_110 : i32
      %convert_element_type3A_112 = arith.extui %lt3A_111 : i1 to i32
      %cond3A_113 = arith.constant 0 : i32
      %cond3A_114 = arith.cmpi ne, %convert_element_type3A_112, %cond3A_113 : i32
      scf.if %cond3A_114 {
        %ge3A_165 = arith.constant 4 : i32
        %ge3A_166 = arith.cmpi sge, %add3A_109, %ge3A_165 : i32
        %convert_element_type3A_167 = arith.extui %ge3A_166 : i1 to i32
        %cond3A_168 = arith.constant 0 : i32
        %cond3A_169 = arith.cmpi ne, %convert_element_type3A_167, %cond3A_168 : i32
        scf.if %cond3A_169 {
          %add3A_174 = arith.addi %mul3A_2, %add3A_109 : i32
          %sub3A_175 = arith.constant 4 : i32
          %sub3A_176 = arith.subi %add3A_174, %sub3A_175 : i32
          %dma_wait3A_177 = arith.constant 0 : i32
          %dma_wait3A_178 = arith.constant 0 : i32
          %dma_wait3A_179 = tpu.memref_slice %arg5[%sub3A_176, %dma_wait3A_177, %dma_wait3A_178] : memref<4096x200x64xf32, #tpu.memory_space<hbm>> -> memref<1x200x64xf32, #tpu.memory_space<hbm>>
          %dma_wait3A_180 = tpu.memref_squeeze %dma_wait3A_179 : memref<1x200x64xf32, #tpu.memory_space<hbm>> -> memref<200x64xf32, #tpu.memory_space<hbm>>
          %dma_wait3A_181 = arith.constant 0 : i32
          %dma_wait3A_182 = arith.constant 0 : i32
          %dma_wait3A_183 = tpu.memref_slice %arg5[%sub3A_176, %dma_wait3A_181, %dma_wait3A_182] : memref<4096x200x64xf32, #tpu.memory_space<hbm>> -> memref<1x200x64xf32, #tpu.memory_space<hbm>>
          %dma_wait3A_184 = tpu.memref_squeeze %dma_wait3A_183 : memref<1x200x64xf32, #tpu.memory_space<hbm>> -> memref<200x64xf32, #tpu.memory_space<hbm>>
          tpu.wait_dma2 semaphore(%arg29 : memref<!tpu.dma_semaphore, #tpu.memory_space<semaphore_mem>>) src(%arg8 : memref<200x64xf32, #tpu.memory_space<vmem>>) dst(%dma_wait3A_184 : memref<200x64xf32, #tpu.memory_space<hbm>>)
        } else {
        }
        %add3A_170 = arith.addi %mul3A_2, %add3A_109 : i32
        %mul3A_171 = arith.constant 200 : i32
        %mul3A_172 = arith.muli %add3A_170, %mul3A_171 : i32
        %dma_start3A = tpu.memref_slice %arg2[%mul3A_172] : memref<819200xi32, #tpu.memory_space<hbm>> -> memref<200xi32, #tpu.memory_space<hbm>>
        %dma_start3A_173 = tpu.memref_slice %arg2[%mul3A_172] : memref<819200xi32, #tpu.memory_space<hbm>> -> memref<200xi32, #tpu.memory_space<hbm>>
        tpu.enqueue_dma source(%dma_start3A_173 : memref<200xi32, #tpu.memory_space<hbm>>) target(%arg12 : memref<200xi32, #tpu.memory_space<vmem>>) target_semaphore(%arg17 : memref<!tpu.dma_semaphore, #tpu.memory_space<semaphore_mem>>)
        tpu.enqueue_dma source(%arg14 : memref<200x64xf32, #tpu.memory_space<vmem_shared>>) target(%arg8 : memref<200x64xf32, #tpu.memory_space<vmem>>) target_semaphore(%arg21 : memref<!tpu.dma_semaphore, #tpu.memory_space<semaphore_mem>>)
      } else {
      }
      %add3A_115 = arith.constant 1 : i32
      %add3A_116 = arith.addi %sub3A_107, %add3A_115 : i32
      %ge3A_117 = arith.constant 0 : i32
      %ge3A_118 = arith.cmpi sge, %add3A_116, %ge3A_117 : i32
      %lt3A_119 = arith.constant 128 : i32
      %lt3A_120 = arith.cmpi slt, %add3A_116, %lt3A_119 : i32
      %and3A_121 = arith.andi %ge3A_118, %lt3A_120 : i1
      %convert_element_type3A_122 = arith.extui %and3A_121 : i1 to i32
      %cond3A_123 = arith.constant 0 : i32
      %cond3A_124 = arith.cmpi ne, %convert_element_type3A_122, %cond3A_123 : i32
      scf.if %cond3A_124 {
        %add3A_165 = arith.addi %mul3A_2, %add3A_116 : i32
        %mul3A_166 = arith.constant 200 : i32
        %mul3A_167 = arith.muli %add3A_165, %mul3A_166 : i32
        %dma_wait3A_168 = tpu.memref_slice %arg2[%mul3A_167] : memref<819200xi32, #tpu.memory_space<hbm>> -> memref<200xi32, #tpu.memory_space<hbm>>
        %dma_wait3A_169 = tpu.memref_slice %arg2[%mul3A_167] : memref<819200xi32, #tpu.memory_space<hbm>> -> memref<200xi32, #tpu.memory_space<hbm>>
        tpu.wait_dma2 semaphore(%arg16 : memref<!tpu.dma_semaphore, #tpu.memory_space<semaphore_mem>>) src(%dma_wait3A_169 : memref<200xi32, #tpu.memory_space<hbm>>) dst(%arg11 : memref<200xi32, #tpu.memory_space<vmem>>)
        tpu.wait_dma2 semaphore(%arg20 : memref<!tpu.dma_semaphore, #tpu.memory_space<semaphore_mem>>) src(%arg14 : memref<200x64xf32, #tpu.memory_space<vmem_shared>>) dst(%arg7 : memref<200x64xf32, #tpu.memory_space<vmem>>)
        %dma_start3A = arith.constant 0 : i32
        %dma_start3A_170 = arith.constant 0 : i32
        %dma_start3A_171 = tpu.memref_slice %arg3[%dma_start3A, %dma_start3A_170] : memref<1000000x64xf32, #tpu.memory_space<hbm>> -> memref<1000000x64xf32, #tpu.memory_space<hbm>>
        tpu.enqueue_indirect_dma source(%dma_start3A_171 : memref<1000000x64xf32, #tpu.memory_space<hbm>>) target(%arg7 : memref<200x64xf32, #tpu.memory_space<vmem>>) offsets(%arg11 : memref<200xi32, #tpu.memory_space<vmem>>) semaphore(%arg24 : memref<!tpu.dma_semaphore, #tpu.memory_space<semaphore_mem>>) {add = true}
      } else {
      }
      %ge3A_125 = arith.constant 0 : i32
      %ge3A_126 = arith.cmpi sge, %sub3A_107, %ge3A_125 : i32
      %lt3A_127 = arith.constant 128 : i32
      %lt3A_128 = arith.cmpi slt, %sub3A_107, %lt3A_127 : i32
      %and3A_129 = arith.andi %ge3A_126, %lt3A_128 : i1
      %convert_element_type3A_130 = arith.extui %and3A_129 : i1 to i32
      %cond3A_131 = arith.constant 0 : i32
      %cond3A_132 = arith.cmpi ne, %convert_element_type3A_130, %cond3A_131 : i32
      scf.if %cond3A_132 {
        %dma_wait3A_165 = arith.constant 0 : i32
        %dma_wait3A_166 = arith.constant 0 : i32
        %dma_wait3A_167 = tpu.memref_slice %arg3[%dma_wait3A_165, %dma_wait3A_166] : memref<1000000x64xf32, #tpu.memory_space<hbm>> -> memref<1000000x64xf32, #tpu.memory_space<hbm>>
        tpu.wait_indirect_dma semaphore(%arg23 : memref<!tpu.dma_semaphore, #tpu.memory_space<semaphore_mem>>) src(%dma_wait3A_167 : memref<1000000x64xf32, #tpu.memory_space<hbm>>) dst(%arg6 : memref<200x64xf32, #tpu.memory_space<vmem>>)
        %add3A_168 = arith.addi %mul3A_2, %sub3A_107 : i32
        %dma_start3A = arith.constant 0 : i32
        %dma_start3A_169 = arith.constant 0 : i32
        %dma_start3A_170 = tpu.memref_slice %arg5[%add3A_168, %dma_start3A, %dma_start3A_169] : memref<4096x200x64xf32, #tpu.memory_space<hbm>> -> memref<1x200x64xf32, #tpu.memory_space<hbm>>
        %dma_start3A_171 = tpu.memref_squeeze %dma_start3A_170 : memref<1x200x64xf32, #tpu.memory_space<hbm>> -> memref<200x64xf32, #tpu.memory_space<hbm>>
        %dma_start3A_172 = arith.constant 0 : i32
        %dma_start3A_173 = arith.constant 0 : i32
        %dma_start3A_174 = tpu.memref_slice %arg5[%add3A_168, %dma_start3A_172, %dma_start3A_173] : memref<4096x200x64xf32, #tpu.memory_space<hbm>> -> memref<1x200x64xf32, #tpu.memory_space<hbm>>
        %dma_start3A_175 = tpu.memref_squeeze %dma_start3A_174 : memref<1x200x64xf32, #tpu.memory_space<hbm>> -> memref<200x64xf32, #tpu.memory_space<hbm>>
        tpu.enqueue_dma source(%arg6 : memref<200x64xf32, #tpu.memory_space<vmem>>) target(%dma_start3A_175 : memref<200x64xf32, #tpu.memory_space<hbm>>) target_semaphore(%arg27 : memref<!tpu.dma_semaphore, #tpu.memory_space<semaphore_mem>>)
      } else {
      }
      %mul3A_133 = arith.constant 4 : i32
      %mul3A_134 = arith.muli %mul3A_133, %scan3A_42 : i32
      %add3A_135 = arith.constant 3 : i32
      %add3A_136 = arith.addi %mul3A_134, %add3A_135 : i32
      %sub3A_137 = arith.constant 2 : i32
      %sub3A_138 = arith.subi %add3A_136, %sub3A_137 : i32
      %add3A_139 = arith.constant 2 : i32
      %add3A_140 = arith.addi %sub3A_138, %add3A_139 : i32
      %lt3A_141 = arith.constant 128 : i32
      %lt3A_142 = arith.cmpi slt, %add3A_140, %lt3A_141 : i32
      %convert_element_type3A_143 = arith.extui %lt3A_142 : i1 to i32
      %cond3A_144 = arith.constant 0 : i32
      %cond3A_145 = arith.cmpi ne, %convert_element_type3A_143, %cond3A_144 : i32
      scf.if %cond3A_145 {
        %ge3A_165 = arith.constant 4 : i32
        %ge3A_166 = arith.cmpi sge, %add3A_140, %ge3A_165 : i32
        %convert_element_type3A_167 = arith.extui %ge3A_166 : i1 to i32
        %cond3A_168 = arith.constant 0 : i32
        %cond3A_169 = arith.cmpi ne, %convert_element_type3A_167, %cond3A_168 : i32
        scf.if %cond3A_169 {
          %add3A_174 = arith.addi %mul3A_2, %add3A_140 : i32
          %sub3A_175 = arith.constant 4 : i32
          %sub3A_176 = arith.subi %add3A_174, %sub3A_175 : i32
          %dma_wait3A_177 = arith.constant 0 : i32
          %dma_wait3A_178 = arith.constant 0 : i32
          %dma_wait3A_179 = tpu.memref_slice %arg5[%sub3A_176, %dma_wait3A_177, %dma_wait3A_178] : memref<4096x200x64xf32, #tpu.memory_space<hbm>> -> memref<1x200x64xf32, #tpu.memory_space<hbm>>
          %dma_wait3A_180 = tpu.memref_squeeze %dma_wait3A_179 : memref<1x200x64xf32, #tpu.memory_space<hbm>> -> memref<200x64xf32, #tpu.memory_space<hbm>>
          %dma_wait3A_181 = arith.constant 0 : i32
          %dma_wait3A_182 = arith.constant 0 : i32
          %dma_wait3A_183 = tpu.memref_slice %arg5[%sub3A_176, %dma_wait3A_181, %dma_wait3A_182] : memref<4096x200x64xf32, #tpu.memory_space<hbm>> -> memref<1x200x64xf32, #tpu.memory_space<hbm>>
          %dma_wait3A_184 = tpu.memref_squeeze %dma_wait3A_183 : memref<1x200x64xf32, #tpu.memory_space<hbm>> -> memref<200x64xf32, #tpu.memory_space<hbm>>
          tpu.wait_dma2 semaphore(%arg30 : memref<!tpu.dma_semaphore, #tpu.memory_space<semaphore_mem>>) src(%arg9 : memref<200x64xf32, #tpu.memory_space<vmem>>) dst(%dma_wait3A_184 : memref<200x64xf32, #tpu.memory_space<hbm>>)
        } else {
        }
        %add3A_170 = arith.addi %mul3A_2, %add3A_140 : i32
        %mul3A_171 = arith.constant 200 : i32
        %mul3A_172 = arith.muli %add3A_170, %mul3A_171 : i32
        %dma_start3A = tpu.memref_slice %arg2[%mul3A_172] : memref<819200xi32, #tpu.memory_space<hbm>> -> memref<200xi32, #tpu.memory_space<hbm>>
        %dma_start3A_173 = tpu.memref_slice %arg2[%mul3A_172] : memref<819200xi32, #tpu.memory_space<hbm>> -> memref<200xi32, #tpu.memory_space<hbm>>
        tpu.enqueue_dma source(%dma_start3A_173 : memref<200xi32, #tpu.memory_space<hbm>>) target(%arg13 : memref<200xi32, #tpu.memory_space<vmem>>) target_semaphore(%arg18 : memref<!tpu.dma_semaphore, #tpu.memory_space<semaphore_mem>>)
        tpu.enqueue_dma source(%arg14 : memref<200x64xf32, #tpu.memory_space<vmem_shared>>) target(%arg9 : memref<200x64xf32, #tpu.memory_space<vmem>>) target_semaphore(%arg22 : memref<!tpu.dma_semaphore, #tpu.memory_space<semaphore_mem>>)
      } else {
      }
      %add3A_146 = arith.constant 1 : i32
      %add3A_147 = arith.addi %sub3A_138, %add3A_146 : i32
      %ge3A_148 = arith.constant 0 : i32
      %ge3A_149 = arith.cmpi sge, %add3A_147, %ge3A_148 : i32
      %lt3A_150 = arith.constant 128 : i32
      %lt3A_151 = arith.cmpi slt, %add3A_147, %lt3A_150 : i32
      %and3A_152 = arith.andi %ge3A_149, %lt3A_151 : i1
      %convert_element_type3A_153 = arith.extui %and3A_152 : i1 to i32
      %cond3A_154 = arith.constant 0 : i32
      %cond3A_155 = arith.cmpi ne, %convert_element_type3A_153, %cond3A_154 : i32
      scf.if %cond3A_155 {
        %add3A_165 = arith.addi %mul3A_2, %add3A_147 : i32
        %mul3A_166 = arith.constant 200 : i32
        %mul3A_167 = arith.muli %add3A_165, %mul3A_166 : i32
        %dma_wait3A_168 = tpu.memref_slice %arg2[%mul3A_167] : memref<819200xi32, #tpu.memory_space<hbm>> -> memref<200xi32, #tpu.memory_space<hbm>>
        %dma_wait3A_169 = tpu.memref_slice %arg2[%mul3A_167] : memref<819200xi32, #tpu.memory_space<hbm>> -> memref<200xi32, #tpu.memory_space<hbm>>
        tpu.wait_dma2 semaphore(%arg17 : memref<!tpu.dma_semaphore, #tpu.memory_space<semaphore_mem>>) src(%dma_wait3A_169 : memref<200xi32, #tpu.memory_space<hbm>>) dst(%arg12 : memref<200xi32, #tpu.memory_space<vmem>>)
        tpu.wait_dma2 semaphore(%arg21 : memref<!tpu.dma_semaphore, #tpu.memory_space<semaphore_mem>>) src(%arg14 : memref<200x64xf32, #tpu.memory_space<vmem_shared>>) dst(%arg8 : memref<200x64xf32, #tpu.memory_space<vmem>>)
        %dma_start3A = arith.constant 0 : i32
        %dma_start3A_170 = arith.constant 0 : i32
        %dma_start3A_171 = tpu.memref_slice %arg3[%dma_start3A, %dma_start3A_170] : memref<1000000x64xf32, #tpu.memory_space<hbm>> -> memref<1000000x64xf32, #tpu.memory_space<hbm>>
        tpu.enqueue_indirect_dma source(%dma_start3A_171 : memref<1000000x64xf32, #tpu.memory_space<hbm>>) target(%arg8 : memref<200x64xf32, #tpu.memory_space<vmem>>) offsets(%arg12 : memref<200xi32, #tpu.memory_space<vmem>>) semaphore(%arg25 : memref<!tpu.dma_semaphore, #tpu.memory_space<semaphore_mem>>) {add = true}
      } else {
      }
      %ge3A_156 = arith.constant 0 : i32
      %ge3A_157 = arith.cmpi sge, %sub3A_138, %ge3A_156 : i32
      %lt3A_158 = arith.constant 128 : i32
      %lt3A_159 = arith.cmpi slt, %sub3A_138, %lt3A_158 : i32
      %and3A_160 = arith.andi %ge3A_157, %lt3A_159 : i1
      %convert_element_type3A_161 = arith.extui %and3A_160 : i1 to i32
      %cond3A_162 = arith.constant 0 : i32
      %cond3A_163 = arith.cmpi ne, %convert_element_type3A_161, %cond3A_162 : i32
      scf.if %cond3A_163 {
        %dma_wait3A_165 = arith.constant 0 : i32
        %dma_wait3A_166 = arith.constant 0 : i32
        %dma_wait3A_167 = tpu.memref_slice %arg3[%dma_wait3A_165, %dma_wait3A_166] : memref<1000000x64xf32, #tpu.memory_space<hbm>> -> memref<1000000x64xf32, #tpu.memory_space<hbm>>
        tpu.wait_indirect_dma semaphore(%arg24 : memref<!tpu.dma_semaphore, #tpu.memory_space<semaphore_mem>>) src(%dma_wait3A_167 : memref<1000000x64xf32, #tpu.memory_space<hbm>>) dst(%arg7 : memref<200x64xf32, #tpu.memory_space<vmem>>)
        %add3A_168 = arith.addi %mul3A_2, %sub3A_138 : i32
        %dma_start3A = arith.constant 0 : i32
        %dma_start3A_169 = arith.constant 0 : i32
        %dma_start3A_170 = tpu.memref_slice %arg5[%add3A_168, %dma_start3A, %dma_start3A_169] : memref<4096x200x64xf32, #tpu.memory_space<hbm>> -> memref<1x200x64xf32, #tpu.memory_space<hbm>>
        %dma_start3A_171 = tpu.memref_squeeze %dma_start3A_170 : memref<1x200x64xf32, #tpu.memory_space<hbm>> -> memref<200x64xf32, #tpu.memory_space<hbm>>
        %dma_start3A_172 = arith.constant 0 : i32
        %dma_start3A_173 = arith.constant 0 : i32
        %dma_start3A_174 = tpu.memref_slice %arg5[%add3A_168, %dma_start3A_172, %dma_start3A_173] : memref<4096x200x64xf32, #tpu.memory_space<hbm>> -> memref<1x200x64xf32, #tpu.memory_space<hbm>>
        %dma_start3A_175 = tpu.memref_squeeze %dma_start3A_174 : memref<1x200x64xf32, #tpu.memory_space<hbm>> -> memref<200x64xf32, #tpu.memory_space<hbm>>
        tpu.enqueue_dma source(%arg7 : memref<200x64xf32, #tpu.memory_space<vmem>>) target(%dma_start3A_175 : memref<200x64xf32, #tpu.memory_space<hbm>>) target_semaphore(%arg28 : memref<!tpu.dma_semaphore, #tpu.memory_space<semaphore_mem>>)
      } else {
      }
      %scan3A_164 = arith.constant 0 : i32
      scf.yield %scan3A_164 : i32
    }
    %scan3A_10 = arith.constant 33 : i32
    %dma_wait3A = arith.constant 0 : i32
    %dma_wait3A_11 = arith.constant 0 : i32
    %dma_wait3A_12 = tpu.memref_slice %arg5[%mul3A_2, %dma_wait3A, %dma_wait3A_11] : memref<4096x200x64xf32, #tpu.memory_space<hbm>> -> memref<1x200x64xf32, #tpu.memory_space<hbm>>
    %dma_wait3A_13 = tpu.memref_squeeze %dma_wait3A_12 : memref<1x200x64xf32, #tpu.memory_space<hbm>> -> memref<200x64xf32, #tpu.memory_space<hbm>>
    %dma_wait3A_14 = arith.constant 0 : i32
    %dma_wait3A_15 = arith.constant 0 : i32
    %dma_wait3A_16 = tpu.memref_slice %arg5[%mul3A_2, %dma_wait3A_14, %dma_wait3A_15] : memref<4096x200x64xf32, #tpu.memory_space<hbm>> -> memref<1x200x64xf32, #tpu.memory_space<hbm>>
    %dma_wait3A_17 = tpu.memref_squeeze %dma_wait3A_16 : memref<1x200x64xf32, #tpu.memory_space<hbm>> -> memref<200x64xf32, #tpu.memory_space<hbm>>
    tpu.wait_dma2 semaphore(%arg27 : memref<!tpu.dma_semaphore, #tpu.memory_space<semaphore_mem>>) src(%arg6 : memref<200x64xf32, #tpu.memory_space<vmem>>) dst(%dma_wait3A_17 : memref<200x64xf32, #tpu.memory_space<hbm>>)
    %dma_wait3A_18 = arith.constant 0 : i32
    %dma_wait3A_19 = arith.constant 0 : i32
    %dma_wait3A_20 = tpu.memref_slice %arg5[%mul3A_2, %dma_wait3A_18, %dma_wait3A_19] : memref<4096x200x64xf32, #tpu.memory_space<hbm>> -> memref<1x200x64xf32, #tpu.memory_space<hbm>>
    %dma_wait3A_21 = tpu.memref_squeeze %dma_wait3A_20 : memref<1x200x64xf32, #tpu.memory_space<hbm>> -> memref<200x64xf32, #tpu.memory_space<hbm>>
    %dma_wait3A_22 = arith.constant 0 : i32
    %dma_wait3A_23 = arith.constant 0 : i32
    %dma_wait3A_24 = tpu.memref_slice %arg5[%mul3A_2, %dma_wait3A_22, %dma_wait3A_23] : memref<4096x200x64xf32, #tpu.memory_space<hbm>> -> memref<1x200x64xf32, #tpu.memory_space<hbm>>
    %dma_wait3A_25 = tpu.memref_squeeze %dma_wait3A_24 : memref<1x200x64xf32, #tpu.memory_space<hbm>> -> memref<200x64xf32, #tpu.memory_space<hbm>>
    tpu.wait_dma2 semaphore(%arg28 : memref<!tpu.dma_semaphore, #tpu.memory_space<semaphore_mem>>) src(%arg7 : memref<200x64xf32, #tpu.memory_space<vmem>>) dst(%dma_wait3A_25 : memref<200x64xf32, #tpu.memory_space<hbm>>)
    %dma_wait3A_26 = arith.constant 0 : i32
    %dma_wait3A_27 = arith.constant 0 : i32
    %dma_wait3A_28 = tpu.memref_slice %arg5[%mul3A_2, %dma_wait3A_26, %dma_wait3A_27] : memref<4096x200x64xf32, #tpu.memory_space<hbm>> -> memref<1x200x64xf32, #tpu.memory_space<hbm>>
    %dma_wait3A_29 = tpu.memref_squeeze %dma_wait3A_28 : memref<1x200x64xf32, #tpu.memory_space<hbm>> -> memref<200x64xf32, #tpu.memory_space<hbm>>
    %dma_wait3A_30 = arith.constant 0 : i32
    %dma_wait3A_31 = arith.constant 0 : i32
    %dma_wait3A_32 = tpu.memref_slice %arg5[%mul3A_2, %dma_wait3A_30, %dma_wait3A_31] : memref<4096x200x64xf32, #tpu.memory_space<hbm>> -> memref<1x200x64xf32, #tpu.memory_space<hbm>>
    %dma_wait3A_33 = tpu.memref_squeeze %dma_wait3A_32 : memref<1x200x64xf32, #tpu.memory_space<hbm>> -> memref<200x64xf32, #tpu.memory_space<hbm>>
    tpu.wait_dma2 semaphore(%arg29 : memref<!tpu.dma_semaphore, #tpu.memory_space<semaphore_mem>>) src(%arg8 : memref<200x64xf32, #tpu.memory_space<vmem>>) dst(%dma_wait3A_33 : memref<200x64xf32, #tpu.memory_space<hbm>>)
    %dma_wait3A_34 = arith.constant 0 : i32
    %dma_wait3A_35 = arith.constant 0 : i32
    %dma_wait3A_36 = tpu.memref_slice %arg5[%mul3A_2, %dma_wait3A_34, %dma_wait3A_35] : memref<4096x200x64xf32, #tpu.memory_space<hbm>> -> memref<1x200x64xf32, #tpu.memory_space<hbm>>
    %dma_wait3A_37 = tpu.memref_squeeze %dma_wait3A_36 : memref<1x200x64xf32, #tpu.memory_space<hbm>> -> memref<200x64xf32, #tpu.memory_space<hbm>>
    %dma_wait3A_38 = arith.constant 0 : i32
    %dma_wait3A_39 = arith.constant 0 : i32
    %dma_wait3A_40 = tpu.memref_slice %arg5[%mul3A_2, %dma_wait3A_38, %dma_wait3A_39] : memref<4096x200x64xf32, #tpu.memory_space<hbm>> -> memref<1x200x64xf32, #tpu.memory_space<hbm>>
    %dma_wait3A_41 = tpu.memref_squeeze %dma_wait3A_40 : memref<1x200x64xf32, #tpu.memory_space<hbm>> -> memref<200x64xf32, #tpu.memory_space<hbm>>
    tpu.wait_dma2 semaphore(%arg30 : memref<!tpu.dma_semaphore, #tpu.memory_space<semaphore_mem>>) src(%arg9 : memref<200x64xf32, #tpu.memory_space<vmem>>) dst(%dma_wait3A_41 : memref<200x64xf32, #tpu.memory_space<hbm>>)
    return
  }
}

</mosaic_0001>

<sc_bundles>
// kernel: kernel.3.cloned.1.call-start
scs
__scs_entry_jumppad:
0x0: {  	(pc) =	sbr.rel $0x88, $3  }
0x1: {  	(tag) =	ssettag $0x0;
	lr =	simm.s32 $0x1  }
0x2: {  	[smem:$0x3F9E] =	sst lr;
	_ =	strace $0xD0000000  }
0x3: {  	_ = 	snop  }
0x4: {  	_ = 	snop  }
0x5: {  	_ = 	snop  }
0x6: {  	_ = 	snop  }
0x7: {  	_ = 	snop  }
__scs_overlays_trampoline_lowered:
0x8: {  	[smem:$0x3FAD] =	sst s0  }
0x9: {  	[smem:$0x3FAE] =	sst s1  }
0xa: {  	[smem:$0x3FAF] =	sst s2  }
0xb: {  	[smem:$0x3FB0] =	sst s3  }
0xc: {  	[smem:$0x3FB1] =	sst s4  }
0xd: {  	[smem:$0x3FB2] =	sst s5  }
0xe: {  	[smem:$0x3FB3] =	sst s6  }
0xf: {  	[smem:$0x3FB4] =	sst s7  }
0x10: {  	[smem:$0x3FB5] =	sst s8  }
0x11: {  	[smem:$0x3FB6] =	sst s9;
	s0 =	simm.s32 @!p0 $0x0  }
0x12: {  	s1 =	sld [smem:$0x3F9C];
	s0 =	simm.s32 @p0 $0x1  }
0x13: {  	[smem:$0x3FB7] =	sst s0;
	s0 =	simm.s32 @!p1 $0x0  }
0x14: {  	s2 =	sld [smem:$0x3F9B];
	s0 =	simm.s32 @p1 $0x1  }
0x15: {  	[smem:$0x3FB8] =	sst s0;
	s0 =	simm.s32 @!p2 $0x0  }
0x16: {  	s3 =	sld [smem:$0x3FDB];
	s0 =	simm.s32 @p2 $0x1  }
0x17: {  	s4 =	simm.s32 $0x1BF5;
	[smem:$0x3FBA] =	sst s0  }
0x18: {  	s0 =	sld [smem:$0x3F9D];
	_ =	swait.ge [sflag:s4], $0x0  }
0x19: {  	s7 =	sld [smem:$0x3F9E]  }
0x1a: {  	s8 =	sadd.s32 $0xFFFFE003, lr  }
0x1b: {  	s9 =	sadd.s32 $0xFFFFFEF7, lr;
	s5 =	simm.s32 $0xFFFFFFFF;
	p2 =	slt.u32 s8, $0xFFFFF086  }
0x1c: {  	p1 =	slt.u32 s9, $0xF7A;
	s5 =	simm.s32 @!p2 $0x0  }
0x1d: {  	s5 =	simm.s32 @p1 $0x1;
	p0 =	seq.s32 s7, s2  }
0x1e: {  	s7 =	smul.u32 @!p0 $0xF7A, s2;
	p2 =	seq.s32 @!p0 s5, $0x0  }
0x1f: {  	s9 =	smul.u32 $0xF7A, s1;
	s8 =	simm.s32 @!p0 $0x1BF5;
	p2 =	por !p2, p0  }
0x20: {  	[sflag:s8] =	ssyncset.s32 @!p0 $0xFFFFF086;
	s6 =	sadd.s32 @!p0 s3, s7;
	s7 =	simm.s32 @!p0 $0x108  }
0x21: {  	s3 =	sadd.s32 s3, s9;
	s6 =	sadd.s32 @!p0 $0x88, s6;
	s7 =	simm.s32 @p2 $0x1082  }
0x22: {  	[simem:s7], [sflag:s8] =	dma.local @!p0 [hbm:s6], $0xF7A  }
0x23: {  	s9 =	sor.u32 $0xD0000000, s2;
	s6 =	simm.s32 $0x108;
	_ =	swait.ge @!p0 [sflag:s8], $0x0  }
0x24: {  	s3 =	sadd.s32 $0x88, s3;
	s6 =	simm.s32 @!p1 $0x1082;
	[sflag:s4] =	ssyncset.s32 $0xFFFFF086  }
0x25: {  	[simem:s6], [sflag:s4] =	dma.local [hbm:s3], $0xF7A  }
0x26: {  	[smem:$0x3F9E] =	sst s1;
	(tag) =	ssettag s2;
	_ =	strace s9  }
0x27: {  	s1 =	sld [smem:$0x3FAE]  }
0x28: {  	s2 =	sld [smem:$0x3FAF]  }
0x29: {  	s4 =	sld [smem:$0x3FB1]  }
0x2a: {  	p0 =	seq.s32 s5, $0x0;
	s5 =	sld [smem:$0x3FB2]  }
0x2b: {  	s6 =	sld [smem:$0x3FB3]  }
0x2c: {  	s7 =	sld [smem:$0x3FB4]  }
0x2d: {  	s3 =	simm.s32 $0x108;
	s8 =	sld [smem:$0x3FB5]  }
0x2e: {  	s3 =	simm.s32 @!p0 $0x1082;
	s9 =	sld [smem:$0x3FB6]  }
0x2f: {  	lr =	sadd.s32 s0, s3;
	s0 =	sld [smem:$0x3FAD]  }
0x30: {  	s3 =	sld [smem:$0x3FB0]  }
0x31: {  	[smem:$0x3FB9] =	sst s10  }
0x32: {  	s10 =	sld [smem:$0x3FB7];
	_ =	sdelay $0x3  }
0x33: {  	p0 =	seq.s32 s10, $0x1;
	s10 =	sld [smem:$0x3FB9];
	_ =	sdelay $0x3  }
0x34: {  	[smem:$0x3FB9] =	sst s10  }
0x35: {  	s10 =	sld [smem:$0x3FB8];
	_ =	sdelay $0x3  }
0x36: {  	p1 =	seq.s32 s10, $0x1;
	s10 =	sld [smem:$0x3FB9];
	_ =	sdelay $0x3  }
0x37: {  	[smem:$0x3FB9] =	sst s10  }
0x38: {  	s10 =	sld [smem:$0x3FBA]  }
0x39: {  	_ = 	snop;
	(pc) =	sbr.ind lr, $3  }
0x3a: {  	_ = 	snop  }
0x3b: {  	_ = 	snop  }
0x3c: {  	p2 =	seq.s32 s10, $0x1;
	s10 =	sld [smem:$0x3FB9]  }
0x3d: {  	_ =	shalt  }
0x3e: {  	_ =	shalt  }
0x3f: {  	_ =	shalt  }
0x40: {  	_ =	shalt  }
0x41: {  	_ =	shalt  }
0x42: {  	_ =	shalt  }
0x43: {  	_ =	shalt  }
0x44: {  	_ =	shalt  }
0x45: {  	_ =	shalt  }
0x46: {  	_ =	shalt  }
0x47: {  	_ =	shalt  }
0x48: {  	_ =	shalt  }
0x49: {  	_ =	shalt  }
0x4a: {  	_ =	shalt  }
0x4b: {  	_ =	shalt  }
0x4c: {  	_ =	shalt  }
0x4d: {  	_ =	shalt  }
0x4e: {  	_ =	shalt  }
0x4f: {  	_ =	shalt  }
0x50: {  	_ =	shalt  }
0x51: {  	_ =	shalt  }
0x52: {  	_ =	shalt  }
0x53: {  	_ =	shalt  }
0x54: {  	_ =	shalt  }
0x55: {  	_ =	shalt  }
0x56: {  	_ =	shalt  }
0x57: {  	_ =	shalt  }
0x58: {  	_ =	shalt  }
0x59: {  	_ =	shalt  }
0x5a: {  	_ =	shalt  }
0x5b: {  	_ =	shalt  }
0x5c: {  	_ =	shalt  }
0x5d: {  	_ =	shalt  }
0x5e: {  	_ =	shalt  }
0x5f: {  	_ =	shalt  }
0x60: {  	_ =	shalt  }
0x61: {  	_ =	shalt  }
0x62: {  	_ =	shalt  }
0x63: {  	_ =	shalt  }
0x64: {  	_ =	shalt  }
0x65: {  	_ =	shalt  }
0x66: {  	_ =	shalt  }
0x67: {  	_ =	shalt  }
0x68: {  	_ =	shalt  }
0x69: {  	_ =	shalt  }
0x6a: {  	_ =	shalt  }
0x6b: {  	_ =	shalt  }
0x6c: {  	_ =	shalt  }
0x6d: {  	_ =	shalt  }
0x6e: {  	_ =	shalt  }
0x6f: {  	_ =	shalt  }
0x70: {  	_ =	shalt  }
0x71: {  	_ =	shalt  }
0x72: {  	_ =	shalt  }
0x73: {  	_ =	shalt  }
0x74: {  	_ =	shalt  }
0x75: {  	_ =	shalt  }
0x76: {  	_ =	shalt  }
0x77: {  	_ =	shalt  }
0x78: {  	_ =	shalt  }
0x79: {  	_ =	shalt  }
0x7a: {  	_ =	shalt  }
0x7b: {  	_ =	shalt  }
0x7c: {  	_ =	shalt  }
0x7d: {  	_ =	shalt  }
0x7e: {  	_ =	shalt  }
0x7f: {  	_ =	shalt  }
0x80: {  	_ =	shalt  }
0x81: {  	_ =	shalt  }
0x82: {  	_ =	shalt  }
0x83: {  	_ =	shalt  }
0x84: {  	_ =	shalt  }
0x85: {  	_ =	shalt  }
0x86: {  	_ =	shalt  }
0x87: {  	_ =	shalt  }
.Lfunc_end0:
.L_simem_size_0:
called_computation.1_lowered:
.L_overlay_start_0:
0x88: {  	s2 =	sld [smem:$0x3FD9]  }
0x89: {  	s3 =	sld [smem:$0x3FFE];
	_ =	sdelay $0x1  }
0x8a: {  	s1 =	srdreg.scid  }
0x8b: {  	s0 =	sand.u32 $0x1, s1  }
0x8c: {  	s17 =	sshll.u32 s0, $0xA;
	s2 =	sadd.s32 s3, s2  }
0x8d: {  	s2 =	sadd.s32 s2, s17  }
0x8e: {  	[smem:$0x3FC5] =	sst s2  }
0x8f: {  	_ = 	snop  }
0x90: {  	s2 =	sld [smem:$0x3FD0];
	(tm) =	ssettm $0x1  }
0x91: {  	s18 =	sld [smem:$0x3FFB];
	_ =	sdelay $0x3  }
0x92: {  	_ =	strace s18  }
0x93: {  	s3 =	sld [smem:$0x3FFC];
	_ =	sdelay $0x3  }
0x94: {  	_ =	strace s3  }
0x95: {  	s3 =	sld [smem:$0x3FFD];
	_ =	sdelay $0x3  }
0x96: {  	_ =	strace s3  }
0x97: {  	_ =	strace $0x8FFFFFFF  }
0x98: {  	s19 =	sld [smem:$0x3FDB];
	_ =	sdelay $0x1  }
0x99: {  	s4 =	simm.s32 $_scs_section_size  }
0x9a: {  	s5 =	simm.s32 $_size__tile_overlayer_lowered;
	s6 =	simm.s32 $_tile_overlayer_lowered  }
0x9b: {  	s22 =	simm.s32 $0x1BFF;
	s21 =	sshll.u32 s6, $0x1;
	s3 =	sadd.s32 s4, s19  }
0x9c: {  	s7 =	simm.s32 $0x0;
	s20 =	sshll.u32 s5, $0x1;
	s5 =	sadd.s32 s21, s3  }
0x9d: {  	[timem:s7], [sflag:s22] =	dma.local [hbm:s5], s20  }
0x9e: {  	_ =	swait.ge [sflag:s22], s20  }
0x9f: {  	s4 =	ssub.s32 $0x0, s20;
	[sflag:s22] =	ssyncset.done $0x0  }
0xa0: {  	[sflag:s22] =	ssyncadd.s32 s4;
	_ =	sdelay $0x1  }
0xa1: {  	s23 =	simm.s32 $0x1B8B  }
0xa2: {  	_ =	swait.ge [sflag:s23], $0x1  }
0xa3: {  	[sflag:s23] =	ssyncset.done $0x0  }
0xa4: {  	s25 =	simm.s32 $0x1B8E;
	s24 =	sld [smem:$0x3FFE];
	[sflag:s23] =	ssyncadd.s32 $0xFFFFFFFF  }
0xa5: {  	s26 =	simm.s32 $execute0_lowered;
	[smem:$0x3FD2] =	sst s25  }
0xa6: {  	s5 =	sshll.u32 s26, $0x1;
	_ =	strace $0x80000046;
	[dreg:$0x1] =	wrdreg $0xFFFFFFFF  }
0xa7: {  	s28 =	simm.s32 $_size_execute0_lowered;
	s3 =	sadd.s32 s3, s5;
	[dreg:$0x0] =	wrdreg $0x0  }
0xa8: {  	s5 =	sshll.u32 s28, $0x1;
	[dreg:$0x2] =	wrdreg s3  }
0xa9: {  	[dreg:$0x3] =	wrdreg s5  }
0xaa: {  	[dreg:$0x4] =	wrdreg $0xC0  }
0xab: {  	_ =	task [dreg:s7], $0x5FFFF  }
0xac: {  	[dreg:$0x1] =	wrdreg $0xFFFFFFFF  }
0xad: {  	[dreg:$0x0] =	wrdreg $0x60  }
0xae: {  	[dreg:$0x2] =	wrdreg s24  }
0xaf: {  	[dreg:$0x3] =	wrdreg s2  }
0xb0: {  	[dreg:$0x4] =	wrdreg $0xCB200  }
0xb1: {  	[dreg:$0x5] =	wrdreg $0x9  }
0xb2: {  	_ =	task.clear_ibuf [dreg:s7], $0x6FFFF;
	_ =	strace $0x90000046  }
0xb3: {  	s29 =	simm.s32 $0x9;
	_ =	strace $0x80000048  }
0xb4: {  	_ =	swait.ge [sflag:s29], $0x1  }
0xb5: {  	[sflag:s29] =	ssyncadd.s32 $0xFFFFFFFF  }
0xb6: {  	_ =	strace $0x90000048  }
0xb7: {  	_ =	sfence  }
0xb8: {  	s30 =	sld [smem:$0x0];
	_ =	sdelay $0x2  }
0xb9: {  	s31 =	sshll.u32 s1, $0xD;
	s1 =	sshrl.u32 s1, $0x2  }
0xba: {  	s3 =	sand.u32 $0x4000, s31;
	s1 =	sadd.s32 s1, s30  }
0xbb: {  	s0 =	sor.u32 s3, s0;
	s1 =	sshll.u32 s1, $0x11  }
0xbc: {  	s0 =	sor.u32 s1, s0  }
0xbd: {  	s0 =	sadd.s32 $0x8F2B, s0  }
0xbe: {  	[sflag:s0] =	ssyncadd.remote.s32 $0x1  }
0xbf: {  	_ =	sfence.sel $0xFFFF  }
0xc0: {  	[dreg:$0x0] =	wrdreg $0xFFFFFFFF;
	(pc) =	sbr.abs _section_cstart, $3  }
0xc1: {  	[dreg:$0x1] =	wrdreg $0xFFFFFFFF  }
0xc2: {  	_ =	task.clear_ibuf [dreg:s7], $0x2FFFF;
	_ =	strace $0x9FFFFFFF  }
0xc3: {  	(tm) =	ssettm $0x7FFFFFFF  }
tec
execute0_lowered:
.L_overlay_start_1:
0x0: {  	(tag) =	ssettag $0x1  }
0x1: {  	s0 =	rddreg [dreg:$0x0]  }
0x2: {  	s12 =	rddreg [dreg:$0x1]  }
0x3: {  	s2 =	rddreg [dreg:$0x2];
	s3 =	simm.s32 $0x0  }
0x4: {  	s1 =	stileid.u32;
	s5 =	srdreg.scid;
	s13 =	simm.s32 $0x8  }
0x5: {  	s14 =	simm.s32 $0xC8;
	s15 =	simm.s32 $0xCA58;
	s16 =	simm.s32 $0x9600  }
0x6: {  	s17 =	simm.s32 $0xC8C8;
	s18 =	simm.s32 $0x3200;
	s19 =	simm.s32 $0x1  }
0x7: {  	s20 =	simm.s32 $0x5;
	s21 =	simm.s32 $0xC990;
	s22 =	simm.s32 $0x6400  }
0x8: {  	s23 =	simm.s32 $0x2;
	s28 =	simm.s32 $0x7;
	s29 =	simm.s32 $0xA  }
0x9: {  	[smem:$0x7FF] =	sst s3;
	s4 =	smul.u32 $0x1900, s1;
	s5 =	sand.u32 $0x1, s5  }
0xa: {  	s9 =	sshll.u32 s1, $0x8;
	s11 =	smul.u32 $0x64000, s1;
	p0 =	sne.s32 s1, $0x0  }
0xb: {  	_ =	strace $0x80000047;
	s6 =	ssub.s32 $0x2, s5;
	s8 =	smul.u32 $0xC80, s5  }
0xc: {  	s10 =	sshll.u32 s5, $0x7;
	s5 =	smul.u32 $0x32000, s5;
	s7 =	sadd.s32 s4, s0  }
0xd: {  	s4 =	sadd.s32 $0xF43000, s0;
	s0 =	sadd.s32 $0x19C00, s0;
	s24 =	sshrl.u32 s6, $0x1  }
0xe: {  	s25 =	sor.u32 s10, s9;
	s30 =	sadd.s32 s11, s12;
	s11 =	simm.s32 $0xC800  }
0xf: {  	s12 =	simm.s32 $0x4;
	[dreg:$0x4] =	wrdreg s0;
	s0 =	ssub.s32 s6, s24  }
.Ltmp0:
0x10: {  	[dreg:$0x5] =	wrdreg s25;
	s26 =	sadd.s32 s8, s7;
	(pc) =	sbr.rel .LBB2_1-.Ltmp0, $4  }
0x11: {  	s31 =	sadd.s32 s5, s30;
	s24 =	simm.s32 $0x6;
	s25 =	simm.s32 $0x9  }
0x12: {  	s6 =	simm.s32 $0x0;
	s0 =	smax.u32 s0, $0x1;
	[dreg:$0x7] =	wrdreg s31  }
0x13: {  	s8 =	sadd.s32 $0xC00, s26;
	[dreg:$0x6] =	wrdreg s0;
	s0 =	sshrl.u32 @!p0 s2, $0x3  }
0x14: {  	s26 =	simm.s32 $0x3;
	[dreg:$0x8] =	wrdreg s0;
	s0 =	simm.s32 $0xF  }
.LBB2_16:
0x15: {  	s1 =	simm.s32 $0xD  }
0x16: {  	_ =	swait.ge [sflag:s1], $0x3200  }
0x17: {  	[sflag:s1] =	ssyncset.done $0x0  }
0x18: {  	s30 =	simm.s32 $0xE;
	[sflag:s1] =	ssyncadd.s32 $0xFFFFCE00  }
0x19: {  	_ =	swait.ge [sflag:s30], $0x3200  }
0x1a: {  	[sflag:s30] =	ssyncset.done $0x0  }
0x1b: {  	[sflag:s30] =	ssyncadd.s32 $0xFFFFCE00  }
0x1c: {  	_ =	swait.ge [sflag:s0], $0x3200  }
0x1d: {  	[sflag:s0] =	ssyncset.done $0x0  }
0x1e: {  	s5 =	simm.s32 $0x10;
	[sflag:s0] =	ssyncadd.s32 $0xFFFFCE00  }
0x1f: {  	_ =	swait.ge [sflag:s5], $0x3200  }
0x20: {  	s6 =	rddreg [dreg:$0x9]  }
0x21: {  	s31 =	rddreg [dreg:$0x6];
	s6 =	sadd.s32 $0x1, s6  }
0x22: {  	p1 =	sne.s32 s6, s31  }
.Ltmp1:
0x23: {  	_ = 	snop;
	(pc) =	sbr.rel @!p1 .LBB2_17-.Ltmp1, $3  }
0x24: {  	_ =	sdelay $0x1  }
0x25: {  	[sflag:s5] =	ssyncset.done $0x0  }
0x26: {  	[sflag:s5] =	ssyncadd.s32 $0xFFFFCE00  }
.LBB2_1:
0x27: {  	[dreg:$0x9] =	wrdreg s6  }
0x28: {  	s5 =	rddreg [dreg:$0x4]  }
0x29: {  	s1 =	simm.s32 @!p0 $0x1C11;
	s6 =	rddreg [dreg:$0x8]  }
0x2a: {  	[spmem:s6], [sflag:s1] =	dma.local @!p0 [hbm:s5], $0x640  }
0x2b: {  	s1 =	simm.s32 @!p0 $0x11  }
.Ltmp2:
0x2c: {  	_ =	swait.ge @!p0 [sflag:s1], $0x640;
	(pc) =	sbr.rel .LBB2_2-.Ltmp2, $4  }
0x2d: {  	[sflag:s1] =	ssyncset.done @!p0 $0x0  }
0x2e: {  	[sflag:s1] =	ssyncadd.s32 @!p0 $0xFFFFF9C0  }
0x2f: {  	s10 =	simm.s32 $0xFFFFFFFE;
	[bflag:$0x0] =	sbarrier.arrive $0xFFFF  }
0x30: {  	s7 =	simm.s32 $0x0;
	s5 =	simm.s32 $0x0;
	s9 =	rddreg [dreg:$0x7]  }
.LBB2_15:
0x31: {  	s1 =	sadd.s32 s5, s8  }
0x32: {  	s6 =	sadd.s32 $0x32, s1  }
0x33: {  	[tilespmem:s21], [sflag:$0x3] =	stream.linear.gather [hbm4b:s6+s3], $0xC8, $0x38;
	[tilespmem:$0xCE40] =	vst v63  }
0x34: {  	_ = 	snop  }
0x35: {  	[tilespmem:s22], [sflag:$0x7] =	stream.linear.gather [spmem:s2], $0x3200, $0x38;
	[tilespmem:$0xCE40] =	vst v63  }
0x36: {  	_ =	swait.ge [sflag:s23], $0xC8  }
0x37: {  	[sflag:s23] =	ssyncset.done $0x0  }
0x38: {  	[sflag:s23] =	ssyncadd.s32 $0xFFFFFF38  }
0x39: {  	_ =	swait.ge [sflag:s24], $0x3200  }
0x3a: {  	[sflag:s24] =	ssyncset.done $0x0  }
0x3b: {  	[sflag:s24] =	ssyncadd.s32 $0xFFFFCE00  }
0x3c: {  	[tilespmem:s18], [sflag:$0xA] =	stream.indirect.gather.add.f32 [hbm:s4], $0x40, s17, s14, $0xb8;
	[tilespmem:$0xCE40] =	vst v63  }
0x3d: {  	_ =	swait.ge [sflag:s25], $0x3200  }
0x3e: {  	[sflag:s25] =	ssyncset.done $0x0  }
0x3f: {  	s6 =	simm.s32 @!p1 $0x10;
	[sflag:s25] =	ssyncadd.s32 $0xFFFFCE00  }
0x40: {  	[hbm4b:s9+s3] =	stream.linear.scatter [tilespmem:s3], [sflag:$0xD], $0x3200, $0x38;
	[tilespmem:$0xCE40] =	vst v63  }
0x41: {  	_ =	swait.ge @!p1 [sflag:s6], $0x3200  }
0x42: {  	[sflag:s6] =	ssyncset.done @!p1 $0x0  }
0x43: {  	s1 =	sadd.s32 $0x4B, s1;
	[sflag:s6] =	ssyncadd.s32 @!p1 $0xFFFFCE00  }
0x44: {  	[tilespmem:s15], [sflag:$0x4] =	stream.linear.gather [hbm4b:s1+s3], $0xC8, $0x38;
	[tilespmem:$0xCE40] =	vst v63  }
0x45: {  	_ = 	snop  }
0x46: {  	[tilespmem:s16], [sflag:$0x8] =	stream.linear.gather [spmem:s2], $0x3200, $0x38;
	[tilespmem:$0xCE40] =	vst v63  }
0x47: {  	_ =	swait.ge [sflag:s26], $0xC8  }
0x48: {  	[sflag:s26] =	ssyncset.done $0x0  }
0x49: {  	[sflag:s26] =	ssyncadd.s32 $0xFFFFFF38  }
0x4a: {  	_ =	swait.ge [sflag:s28], $0x3200  }
0x4b: {  	[sflag:s28] =	ssyncset.done $0x0  }
0x4c: {  	[sflag:s28] =	ssyncadd.s32 $0xFFFFCE00  }
0x4d: {  	[tilespmem:s22], [sflag:$0xB] =	stream.indirect.gather.add.f32 [hbm:s4], $0x40, s21, s14, $0xb8;
	[tilespmem:$0xCE40] =	vst v63  }
0x4e: {  	s31 =	sadd.s32 $0x640, s9;
	_ =	swait.ge [sflag:s29], $0x3200  }
0x4f: {  	s7 =	sadd.s32 $0x1, s7;
	s5 =	sadd.s32 $0x64, s5;
	[sflag:s29] =	ssyncset.done $0x0  }
0x50: {  	s10 =	sadd.s32 $0x4, s10;
	s9 =	sadd.s32 $0x1900, s9;
	[sflag:s29] =	ssyncadd.s32 $0xFFFFCE00  }
0x51: {  	[hbm4b:s31+s3] =	stream.linear.scatter [tilespmem:s18], [sflag:$0xE], $0x3200, $0x38;
	[tilespmem:$0xCE40] =	vst v63  }
.LBB2_2:
0x52: {  	p1 =	seq.s32 s7, $0x0  }
.Ltmp3:
0x53: {  	_ = 	snop;
	(pc) =	sbr.rel @p1 .LBB2_5-.Ltmp3, $1  }
0x54: {  	_ =	sdelay $0x3  }
0x55: {  	p1 =	seq.s32 s7, $0x20  }
.Ltmp4:
0x56: {  	_ = 	snop;
	(pc) =	sbr.rel @p1 .LBB2_7-.Ltmp4, $2  }
0x57: {  	_ =	sdelay $0x2  }
0x58: {  	s1 =	simm.s32 $0x7F  }
0x59: {  	s1 =	simm.s32 $0xD  }
0x5a: {  	_ =	swait.ge [sflag:s1], $0x3200  }
0x5b: {  	[sflag:s1] =	ssyncset.done $0x0  }
0x5c: {  	[sflag:s1] =	ssyncadd.s32 $0xFFFFCE00  }
.LBB2_5:
0x5d: {  	s1 =	sadd.s32 s5, s8  }
0x5e: {  	[tilespmem:s11], [sflag:$0x1] =	stream.linear.gather [hbm4b:s1+s3], $0xC8, $0x38;
	[tilespmem:$0xCE40] =	vst v63  }
0x5f: {  	s1 =	sadd.s32 $0x1, s10  }
0x60: {  	p1 =	sgt.u32 s1, $0x7F  }
.Ltmp5:
0x61: {  	_ = 	snop;
	(pc) =	sbr.rel @p1 .LBB2_6-.Ltmp5, $2  }
0x62: {  	_ =	sdelay $0x2  }
0x63: {  	[tilespmem:s3], [sflag:$0x5] =	stream.linear.gather [spmem:s2], $0x3200, $0x38;
	[tilespmem:$0xCE40] =	vst v63  }
.LBB2_7:
0x64: {  	_ =	swait.ge [sflag:s12], $0xC8  }
0x65: {  	[sflag:s12] =	ssyncset.done $0x0  }
0x66: {  	[sflag:s12] =	ssyncadd.s32 $0xFFFFFF38  }
.Ltmp6:
0x67: {  	_ =	swait.ge [sflag:s13], $0x3200;
	(pc) =	sbr.rel .LBB2_8-.Ltmp6, $4  }
0x68: {  	[sflag:s13] =	ssyncset.done $0x0;
	s6 =	rddreg [dreg:$0x5]  }
0x69: {  	[sflag:s13] =	ssyncadd.s32 $0xFFFFCE00;
	s1 =	sor.u32 s6, s1  }
0x6a: {  	[tilespmem:s16], [sflag:$0xC] =	stream.indirect.gather.add.f32 [hbm:s4], $0x40, s15, s14, $0xb8;
	[tilespmem:$0xCE40] =	vst v63  }
0x6b: {  	p2 =	por $0x1, $0x1;
	s1 =	smul.u32 $0x640, s1  }
.LBB2_6:
0x6c: {  	s1 =	simm.s32 $0xFFFFF9C0;
	p2 =	por $0x0, $0x0  }
.LBB2_8:
0x6d: {  	p1 =	sgt.u32 s10, $0x7F  }
0x6e: {  	s30 =	simm.s32 @!p1 $0xB  }
0x6f: {  	_ =	swait.ge @!p1 [sflag:s30], $0x3200  }
0x70: {  	s31 =	simm.s32 @!p1 $0x0;
	[sflag:s30] =	ssyncset.done @!p1 $0x0  }
0x71: {  	s6 =	simm.s32 @!p1 $0x6400;
	[sflag:s30] =	ssyncadd.s32 @!p1 $0xFFFFCE00;
	s30 =	sadd.s32 @!p1 $0xFFFFF380, s9  }
0x72: {  	[hbm4b:s30+s31] =	stream.linear.scatter @!p1 [tilespmem:s6], [sflag:$0xF], $0x3200, $0x38;
	[tilespmem:$0xCE40] =	vst v63  }
0x73: {  	p1 =	seq.s32 s5, $0x0  }
.Ltmp7:
0x74: {  	_ = 	snop;
	(pc) =	sbr.rel @p1 .LBB2_11-.Ltmp7, $1  }
0x75: {  	_ =	sdelay $0x3  }
0x76: {  	p3 =	seq.s32 s5, $0xC80  }
.Ltmp8:
0x77: {  	_ = 	snop;
	(pc) =	sbr.rel @p3 .LBB2_12-.Ltmp8, $1  }
0x78: {  	_ =	sdelay $0x3  }
0x79: {  	s6 =	simm.s32 $0xE  }
0x7a: {  	_ =	swait.ge [sflag:s6], $0x3200  }
0x7b: {  	[sflag:s6] =	ssyncset.done $0x0  }
0x7c: {  	[sflag:s6] =	ssyncadd.s32 $0xFFFFCE00  }
.LBB2_11:
0x7d: {  	s6 =	sadd.s32 s5, s8  }
0x7e: {  	s6 =	sadd.s32 $0x19, s6  }
0x7f: {  	[tilespmem:s17], [sflag:$0x2] =	stream.linear.gather [hbm4b:s6+s3], $0xC8, $0x38;
	[tilespmem:$0xCE40] =	vst v63  }
0x80: {  	_ = 	snop  }
0x81: {  	[tilespmem:s18], [sflag:$0x6] =	stream.linear.gather [spmem:s2], $0x3200, $0x38;
	[tilespmem:$0xCE40] =	vst v63  }
0x82: {  	_ =	swait.ge [sflag:s19], $0xC8  }
0x83: {  	[sflag:s19] =	ssyncset.done $0x0  }
0x84: {  	[sflag:s19] =	ssyncadd.s32 $0xFFFFFF38  }
0x85: {  	_ =	swait.ge [sflag:s20], $0x3200  }
0x86: {  	[sflag:s20] =	ssyncset.done $0x0  }
0x87: {  	[sflag:s20] =	ssyncadd.s32 $0xFFFFCE00  }
0x88: {  	[tilespmem:s3], [sflag:$0x9] =	stream.indirect.gather.add.f32 [hbm:s4], $0x40, s11, s14, $0xb8;
	[tilespmem:$0xCE40] =	vst v63  }
.LBB2_12:
0x89: {  	s6 =	simm.s32 @p2 $0xC  }
0x8a: {  	_ =	swait.ge @p2 [sflag:s6], $0x3200  }
.Ltmp9:
0x8b: {  	[sflag:s6] =	ssyncset.done @p2 $0x0;
	(pc) =	sbr.rel @p1 .LBB2_15-.Ltmp9, $4  }
0x8c: {  	[sflag:s6] =	ssyncadd.s32 @p2 $0xFFFFCE00  }
0x8d: {  	s6 =	rddreg [dreg:$0x1]  }
0x8e: {  	s30 =	simm.s32 @p2 $0x9600;
	s1 =	sadd.s32 @p2 s6, s1;
	s6 =	simm.s32 @p2 $0x0  }
0x8f: {  	[hbm4b:s1+s6] =	stream.linear.scatter @p2 [tilespmem:s30], [sflag:$0x10], $0x3200, $0x38;
	[tilespmem:$0xCE40] =	vst v63  }
0x90: {  	p2 =	seq.s32 s5, $0xC80  }
.Ltmp10:
0x91: {  	_ = 	snop;
	(pc) =	sbr.rel @p2 .LBB2_16-.Ltmp10, $1  }
0x92: {  	_ =	sdelay $0x3  }
.Ltmp11:
0x93: {  	(pc) =	sbr.rel .LBB2_15-.Ltmp11, $4  }
0x94: {  	_ = 	snop  }
0x95: {  	_ =	swait.ge [sflag:s0], $0x3200  }
0x96: {  	[sflag:s0] =	ssyncset.done $0x0  }
0x97: {  	[sflag:s0] =	ssyncadd.s32 $0xFFFFCE00  }
.LBB2_17:
0x98: {  	_ =	sfence.sel $0x180000  }
0x99: {  	[bflag:$0x0] =	sbarrier.arrive $0xFFFF  }
0x9a: {  	_ =	strace $0x90000047  }
0x9b: {  	[bflag:$0x2] =	sbarrier.arrive $0xFFFF  }
0x9c: {  	s0 =	rddreg [dreg:$0x3]  }
0x9d: {  	s0 =	sadd.s32 @!p0 $0x100000, s0  }
0x9e: {  	[sflag:s0] =	ssyncadd.tile.s32 @!p0 $0x1;
	_ =	shalt  }
.Lfunc_end2:
_tile_overlayer_lowered:
.L_overlay_start_2:
0x9f: {  	(tag) =	ssettag $0x2  }
0xa0: {  	s0 =	rddreg [dreg:$0x0];
	s2 =	stileid.u32  }
0xa1: {  	s1 =	rddreg [dreg:$0x1];
	p0 =	sne.s32 s2, $0x0  }
0xa2: {  	s3 =	rddreg [dreg:$0x2];
	[bflag:$0x3] =	sbarrier.arrive $0xFFFF;
	s2 =	simm.s32 @!p0 $0x1C11  }
0xa3: {  	[timem:s3], [sflag:s2] =	dma.local @!p0 [hbm:s0], s1  }
0xa4: {  	s0 =	simm.s32 @!p0 $0x11  }
0xa5: {  	_ =	swait.ge @!p0 [sflag:s0], s1  }
0xa6: {  	s1 =	ssub.s32 @!p0 $0x0, s1;
	[sflag:s0] =	ssyncset.done @!p0 $0x0  }
0xa7: {  	[sflag:s0] =	ssyncadd.s32 @!p0 s1  }
0xa8: {  	[bflag:$0x3] =	sbarrier.arrive $0xFFFF  }
0xa9: {  	_ =	shalt  }

// kernel: sparse-core-data-format-call.cloned.1.call-start
scs
called_computation_lowered:
.L_overlay_start_0:
0x0: {  	s2 =	sld [smem:$0x3FD9]  }
0x1: {  	s3 =	sld [smem:$0x3FFE];
	_ =	sdelay $0x1  }
0x2: {  	s1 =	srdreg.scid  }
0x3: {  	s0 =	sand.u32 $0x1, s1  }
0x4: {  	s18 =	sshll.u32 s0, $0xA;
	s2 =	sadd.s32 s3, s2  }
0x5: {  	s2 =	sadd.s32 s2, s18  }
0x6: {  	[smem:$0x3FC5] =	sst s2  }
0x7: {  	_ = 	snop  }
0x8: {  	s2 =	sld [smem:$0x3FD0];
	(tm) =	ssettm $0x1  }
0x9: {  	s19 =	sld [smem:$0x3FFB];
	_ =	sdelay $0x3  }
0xa: {  	_ =	strace s19  }
0xb: {  	s3 =	sld [smem:$0x3FFC];
	_ =	sdelay $0x3  }
0xc: {  	_ =	strace s3  }
0xd: {  	s3 =	sld [smem:$0x3FFD];
	_ =	sdelay $0x3  }
0xe: {  	_ =	strace s3  }
0xf: {  	_ =	strace $0x8FFFFFFF  }
0x10: {  	s20 =	sld [smem:$0x3FDB];
	_ =	sdelay $0x1  }
0x11: {  	s4 =	simm.s32 $_scs_section_size  }
0x12: {  	s5 =	simm.s32 $_size__tile_overlayer_lowered;
	s6 =	simm.s32 $_tile_overlayer_lowered  }
0x13: {  	s23 =	simm.s32 $0x1BFF;
	s22 =	sshll.u32 s6, $0x1;
	s3 =	sadd.s32 s4, s20  }
0x14: {  	s7 =	simm.s32 $0x0;
	s21 =	sshll.u32 s5, $0x1;
	s5 =	sadd.s32 s22, s3  }
0x15: {  	[timem:s7], [sflag:s23] =	dma.local [hbm:s5], s21  }
0x16: {  	_ =	swait.ge [sflag:s23], s21  }
0x17: {  	s4 =	ssub.s32 $0x0, s21;
	[sflag:s23] =	ssyncset.done $0x0  }
0x18: {  	[sflag:s23] =	ssyncadd.s32 s4;
	_ =	sdelay $0x1  }
0x19: {  	s24 =	simm.s32 $0x1B8B  }
0x1a: {  	_ =	swait.ge [sflag:s24], $0x1  }
0x1b: {  	[sflag:s24] =	ssyncset.done $0x0  }
0x1c: {  	s26 =	simm.s32 $0x1B8E;
	s25 =	sld [smem:$0x3FFE];
	[sflag:s24] =	ssyncadd.s32 $0xFFFFFFFF  }
0x1d: {  	s27 =	simm.s32 $execute0_lowered;
	[smem:$0x3FD2] =	sst s26  }
0x1e: {  	s5 =	sshll.u32 s27, $0x1;
	_ =	strace $0x80000049;
	[dreg:$0x1] =	wrdreg $0xFFFFFFFF  }
0x1f: {  	s28 =	simm.s32 $_size_execute0_lowered;
	s3 =	sadd.s32 s3, s5;
	[dreg:$0x0] =	wrdreg $0x0  }
0x20: {  	s5 =	sshll.u32 s28, $0x1;
	[dreg:$0x2] =	wrdreg s3  }
0x21: {  	[dreg:$0x3] =	wrdreg s5  }
0x22: {  	[dreg:$0x4] =	wrdreg $0xC0  }
0x23: {  	_ =	task [dreg:s7], $0x5FFFF  }
0x24: {  	[dreg:$0x1] =	wrdreg $0xFFFFFFFF  }
0x25: {  	[dreg:$0x0] =	wrdreg $0x60  }
0x26: {  	[dreg:$0x2] =	wrdreg s25  }
0x27: {  	[dreg:$0x3] =	wrdreg s2  }
0x28: {  	[dreg:$0x4] =	wrdreg $0x9  }
0x29: {  	_ =	task.clear_ibuf [dreg:s7], $0x5FFFF;
	_ =	strace $0x90000049  }
0x2a: {  	s29 =	simm.s32 $0x9;
	_ =	strace $0x8000004B  }
0x2b: {  	_ =	swait.ge [sflag:s29], $0x1  }
0x2c: {  	[sflag:s29] =	ssyncadd.s32 $0xFFFFFFFF  }
0x2d: {  	_ =	strace $0x9000004B  }
0x2e: {  	_ =	sfence  }
0x2f: {  	s30 =	sld [smem:$0x0];
	_ =	sdelay $0x2  }
0x30: {  	s31 =	sshll.u32 s1, $0xD;
	s1 =	sshrl.u32 s1, $0x2  }
0x31: {  	s3 =	sand.u32 $0x4000, s31;
	s1 =	sadd.s32 s1, s30  }
0x32: {  	s0 =	sor.u32 s3, s0;
	s1 =	sshll.u32 s1, $0x11  }
0x33: {  	s0 =	sor.u32 s1, s0  }
0x34: {  	s0 =	sadd.s32 $0x8F2B, s0  }
0x35: {  	[sflag:s0] =	ssyncadd.remote.s32 $0x1  }
0x36: {  	_ =	sfence.sel $0xFFFF  }
0x37: {  	[dreg:$0x0] =	wrdreg $0xFFFFFFFF;
	(pc) =	sbr.abs _section_cstart, $3  }
0x38: {  	[dreg:$0x1] =	wrdreg $0xFFFFFFFF  }
0x39: {  	_ =	task.clear_ibuf [dreg:s7], $0x2FFFF;
	_ =	strace $0x9FFFFFFF  }
0x3a: {  	(tm) =	ssettm $0x7FFFFFFF  }
0x3b: {  	_ =	shalt  }
tec
execute0_lowered:
.L_overlay_start_1:
0x0: {  	(tag) =	ssettag $0x1  }
0x1: {  	s0 =	srdreg.scid  }
0x2: {  	s1 =	sshll.u32 s0, $0x4  }
0x3: {  	s0 =	stileid.u32;
	s1 =	sand.u32 $0x10, s1  }
0x4: {  	s1 =	sor.u32 s0, s1  }
0x5: {  	s6 =	rddreg [dreg:$0x0];
	s4 =	simm.s32 $0x1;
	s2 =	sshll.u32 s1, $0x7  }
0x6: {  	s7 =	simm.s32 $0x2;
	s12 =	simm.s32 $0x0;
	s1 =	ssub.s32 $0x1000, s2  }
0x7: {  	s8 =	simm.s32 $0x8000;
	s13 =	simm.s32 $0x0;
	s3 =	sand.u32 $0xF80, s1  }
0x8: {  	s9 =	simm.s32 $0x0;
	s5 =	sshrl.u32 s1, $0xC;
	p0 =	sne.s32 s3, $0x0  }
.Ltmp0:
0x9: {  	s1 =	rddreg [dreg:$0x2];
	s4 =	simm.s32 @!p0 $0x0;
	(pc) =	sbr.rel .LBB1_1-.Ltmp0, $4  }
0xa: {  	s11 =	simm.s32 $0x0;
	s3 =	rddreg [dreg:$0x1];
	s5 =	sadd.s32 s4, s5  }
0xb: {  	_ =	strace $0x8000004A;
	s4 =	simm.s32 $0x1;
	s5 =	smul.u32 $0xC8, s5  }
0xc: {  	s6 =	sadd.s32 $0xC00, s6;
	s10 =	smov.u32 s2;
	[sflag:s4] =	ssyncpa.u1 $0x0  }
0xd: {  	p0 =	por $0x0, $0x0;
	[sflag:s7] =	ssyncpa.u1 $0x0;
	s7 =	sor.u32 $0x1, s5  }
.LBB1_4:
0xe: {  	s16 =	sshll.u32 s13, $0x3;
	s17 =	sand.u32 $0x78, s13  }
0xf: {  	s30 =	sand.u32 $0x7E00, s13;
	s12 =	sshll.u32 s12, $0xF;
	s16 =	sand.u32 $0xC00, s16  }
0x10: {  	[tilespmem:s15+$0x810 ss:$0x81] =	vst.msk $0xffff, v2;
	s31 =	sand.u32 $0x7, s13;
	s16 =	sor.u32 s17, s16;
	s17 =	sadd.s32 s3, s30  }
0x11: {  	[tilespmem:s15+$0x1020 ss:$0x81] =	vst.msk $0xffff, v0;
	s13 =	sshll.u32 s31, $0x12;
	s12 =	sadd.s32 s12, s17;
	s16 =	sshrl.u32 s16, $0x3  }
0x12: {  	[tilespmem:s15+$0x0 ss:$0x81] =	vst.msk $0xffff, v1;
	s13 =	sor.u32 $0x400, s13;
	s12 =	sadd.s32 s16, s12  }
0x13: {  	[hbm4b:s12+s13] =	stream.strided.scatter [tilespmem:s14], [sflag:$0x2], $0x2000, s8, s13, $0x20;
	[tilespmem:$0x8080] =	vst v63  }
.LBB1_5:
0x14: {  	s14 =	sadd.s32 $0x1, s9  }
0x15: {  	s12 =	sadd.s32 $0x1000, s10;
	s16 =	smov.u32 s10;
	p2 =	sgt.s32 s14, $0xC7  }
0x16: {  	s16 =	smov.u32 @p2 s12  }
0x17: {  	s14 =	simm.s32 @p2 $0x0;
	p2 =	sgt.s32 s16, $0xFFF  }
0x18: {  	s16 =	smov.u32 @p2 s2;
	p2 =	sne.s32 s11, s7  }
.Ltmp1:
0x19: {  	p1 =	slt.u32 s11, $0x2;
	(pc) =	sbr.rel @!p2 .LBB1_6-.Ltmp1, $4  }
0x1a: {  	s15 =	simm.s32 @!p1 $0x2  }
0x1b: {  	s13 =	smov.u32 s10;
	p0 =	por !p0, !p0;
	_ =	swait.ge @!p1 [sflag:s15], $0x2000  }
0x1c: {  	s12 =	smov.u32 s9;
	[sflag:s15] =	ssyncset.done @!p1 $0x0;
	s9 =	smov.u32 s14  }
0x1d: {  	s11 =	sadd.s32 $0x1, s11;
	[sflag:s15] =	ssyncadd.s32 @!p1 $0xFFFFE000;
	s10 =	smov.u32 s16  }
.LBB1_1:
0x1e: {  	p1 =	sge.u32 s11, s5  }
0x1f: {  	s14 =	sand.u32 @!p1 $0x1FFFFFF, s9  }
0x20: {  	s15 =	smulhi.u32 @!p1 $0x147AE15, s14;
	_ =	sdelay $0x1  }
0x21: {  	s15 =	smul.u32 @!p1 $0xC8, s15  }
0x22: {  	s16 =	sxor.u32 @!p1 $0xFFFFFFFF, s11;
	s17 =	smul.u32 @!p1 $0xC80, s10  }
0x23: {  	s31 =	sadd.s32 $0xFFFFFFFF, s11;
	s16 =	sshll.u32 @!p1 s16, $0xD;
	s14 =	ssub.s32 @!p1 s14, s15  }
0x24: {  	s15 =	sand.u32 @!p1 $0x2000, s16;
	s16 =	sadd.s32 @!p1 s6, s17;
	s14 =	sshll.u32 @!p1 s14, $0x4  }
0x25: {  	s17 =	simm.s32 @!p1 $0x6400;
	s14 =	sadd.s32 @!p1 s14, s16;
	s16 =	simm.s32 @!p1 $0x40  }
0x26: {  	[tilespmem:s15], [sflag:$0x1] =	stream.strided.gather @!p1 [hbm4b:s14+s16], $0x2000, s17, s16, $0x38;
	[tilespmem:$0x8080] =	vst v63  }
0x27: {  	p1 =	sge.u32 s31, s5  }
.Ltmp2:
0x28: {  	_ = 	snop;
	(pc) =	sbr.rel @p1 .LBB1_5-.Ltmp2, $1  }
0x29: {  	_ =	sdelay $0x3  }
0x2a: {  	s14 =	simm.s32 $0x1  }
0x2b: {  	_ =	swait.ge [sflag:s4], $0x2000;
	s14 =	simm.s32 @!p0 $0x0  }
0x2c: {  	[sflag:s4] =	ssyncset.done $0x0;
	s15 =	sshll.u32 s14, $0xD  }
0x2d: {  	[sflag:s4] =	ssyncadd.s32 $0xFFFFE000;
	s18 =	sor.u32 $0x20, s15  }
0x2e: {  	s14 =	smul.u32 $0x8100, s14;
	v3 =	vld [tilespmem:s18+$0x10]  }
0x2f: {  	s30 =	sand.u32 $0x1, s11;
	v2 =	vld [tilespmem:s18+$0xFFFFFFF0]  }
0x30: {  	s15 =	smul.u32 $0x8100, s30;
	s14 =	sshrl.u32 s14, $0x2;
	v0 =	vld [tilespmem:s18+$0x0]  }
0x31: {  	v1 =	vld [tilespmem:s18+$0xFFFFFFE0];
	s16 =	sor.u32 $0x4000, s14  }
0x32: {  	s31 =	sshrl.u32 s15, $0x2;
	s15 =	sadd.s32 $0x0, s16  }
0x33: {  	s17 =	simm.s32 $0x4;
	s18 =	sadd.s32 $0x40, s18;
	s14 =	sor.u32 $0x4000, s31;
	[tilespmem:s15+$0x1830 ss:$0x81] =	vst.msk $0xffff, v3  }
.LBB1_3:
0x34: {  	v3 =	vld [tilespmem:s18+$0x10];
	p1 =	sne.s32 s17, $0x1FC;
	[tilespmem:s15+$0x810 ss:$0x81] =	vst.msk $0xffff, v2;
	s19 =	smov.u32 s17;
	s17 =	sadd.s32 $0x4, s17  }
.Ltmp3:
0x35: {  	v2 =	vld [tilespmem:s18+$0xFFFFFFF0];
	[tilespmem:s15+$0x1020 ss:$0x81] =	vst.msk $0xffff, v0;
	(pc) =	sbr.rel @p1 .LBB1_3-.Ltmp3, $4  }
0x36: {  	v0 =	vld [tilespmem:s18+$0x0];
	[tilespmem:s15+$0x0 ss:$0x81] =	vst.msk $0xffff, v1  }
0x37: {  	s15 =	sshra.s32 s19, $0x2;
	v1 =	vld [tilespmem:s18+$0xFFFFFFE0]  }
0x38: {  	s15 =	sadd.s32 s15, s16  }
0x39: {  	s18 =	sadd.s32 $0x40, s18;
	[tilespmem:s15+$0x1830 ss:$0x81] =	vst.msk $0xffff, v3  }
.Ltmp4:
0x3a: {  	_ = 	snop;
	(pc) =	sbr.rel .LBB1_4-.Ltmp4, $1  }
0x3b: {  	_ =	sdelay $0x3  }
.LBB1_6:
0x3c: {  	_ =	sfence.sel $0x180000  }
0x3d: {  	s2 =	simm.s32 $0x1;
	[bflag:$0x0] =	sbarrier.arrive $0xFFFF  }
0x3e: {  	s31 =	simm.s32 $0x2;
	[sflag:s2] =	ssyncpa.u1 $0x1  }
0x3f: {  	[sflag:s31] =	ssyncpa.u1 $0x1  }
0x40: {  	p0 =	sne.s32 s0, $0x0;
	_ =	strace $0x9000004A  }
0x41: {  	s0 =	sadd.s32 @!p0 $0x100000, s1;
	[bflag:$0x2] =	sbarrier.arrive $0xFFFF  }
0x42: {  	[sflag:s0] =	ssyncadd.tile.s32 @!p0 $0x1;
	_ =	shalt  }
.Lfunc_end1:
_tile_overlayer_lowered:
.L_overlay_start_2:
0x43: {  	(tag) =	ssettag $0x2  }
0x44: {  	s0 =	rddreg [dreg:$0x0];
	s2 =	stileid.u32  }
0x45: {  	s1 =	rddreg [dreg:$0x1];
	p0 =	sne.s32 s2, $0x0  }
0x46: {  	s3 =	rddreg [dreg:$0x2];
	[bflag:$0x3] =	sbarrier.arrive $0xFFFF;
	s2 =	simm.s32 @!p0 $0x1C01  }
0x47: {  	[timem:s3], [sflag:s2] =	dma.local @!p0 [hbm:s0], s1  }
0x48: {  	s0 =	simm.s32 @!p0 $0x1  }
0x49: {  	_ =	swait.ge @!p0 [sflag:s0], s1  }
0x4a: {  	s1 =	ssub.s32 @!p0 $0x0, s1;
	[sflag:s0] =	ssyncset.done @!p0 $0x0  }
0x4b: {  	[sflag:s0] =	ssyncadd.s32 @!p0 s1  }
0x4c: {  	[bflag:$0x3] =	sbarrier.arrive $0xFFFF  }
0x4d: {  	_ =	shalt  }

</sc_bundles>
